<compile_context>
chip_gen: v7x
topology: tpu7x:2x2x1
jax: 0.10.2.dev20260603
libtpu: 0.0.44.dev20260713+nightly
codegen_flags: <defaults>
</compile_context>

<pallas_src>
import functools

import jax
import jax.numpy as jnp
from jax import lax
from jax.experimental import pallas as pl
from jax.experimental.pallas import tpu as pltpu
from jax.experimental.pallas import tpu_sc as plsc

N = 10000
N_PAD = 10240
E = 160000
D = 256
TAU0 = 0.5

NC = 2
NS = 16
NW = NC * NS
EPTA = 5120
EPTB = E - 31 * EPTA
SL = N_PAD // NS
MVB = 1024

_mesh = plsc.VectorSubcoreMesh(
    core_axis_name="c", subcore_axis_name="s", num_cores=NC, num_subcores=NS
)


def _fill(ref, n, value):
    vec = jnp.full((16,), value, dtype=ref.dtype)

    def body(i, carry):
        ref[pl.ds(i * 16, 16)] = vec
        return carry

    lax.fori_loop(0, n // 16, body, 0)


def _rowcopy2(src2d, row, off, dst, n):
    def body(i, carry):
        dst[pl.ds(i * 16, 16)] = src2d[row, pl.ds(off + i * 16, 16)]
        return carry

    lax.fori_loop(0, n // 16, body, 0)


def _rowcopy(src2d, row, dst, n):
    def body(i, carry):
        dst[pl.ds(i * 16, 16)] = src2d[row, pl.ds(i * 16, 16)]
        return carry

    lax.fori_loop(0, n // 16, body, 0)


@functools.partial(
    pl.kernel,
    out_type=jax.ShapeDtypeStruct((NC, N_PAD), jnp.float32),
    mesh=_mesh,
    scratch_types=[
        pltpu.VMEM((2, EPTA), jnp.int32),
        pltpu.VMEM((2, EPTB), jnp.int32),
        pltpu.VMEM((EPTA,), jnp.int32),
        pltpu.VMEM((EPTB,), jnp.int32),
        pltpu.VMEM((EPTA,), jnp.float32),
        pltpu.VMEM((SL,), jnp.float32),
        pltpu.VMEM_SHARED((N_PAD,), jnp.float32),
        pltpu.SemaphoreType.DMA,
    ],
)
def _deg_kernel(ei_hbm, out_hbm, ei_v, ei_b, dst1_v, dst1_b, ones_v,
                zeros_v, deg_sp, sem):
    c = lax.axis_index("c")
    s = lax.axis_index("s")
    w = c * NS + s
    @pl.when(w < NW - 1)
    def _():
        cp = pltpu.async_copy(ei_hbm.at[:, pl.ds(w * EPTA, EPTA)], ei_v, sem)
        _fill(ones_v, EPTA, 1.0)
        _fill(zeros_v, SL, 0.0)
        cp.wait()

    @pl.when(w == NW - 1)
    def _():
        cp = pltpu.async_copy(ei_hbm.at[:, pl.ds((NW - 1) * EPTA, EPTB)],
                              ei_b, sem)
        _fill(ones_v, EPTA, 1.0)
        _fill(zeros_v, SL, 0.0)
        cp.wait()

    pltpu.sync_copy(zeros_v, deg_sp.at[pl.ds(s * SL, SL)])
    plsc.subcore_barrier()

    @pl.when(w < NW - 1)
    def _():
        _rowcopy(ei_v, 1, dst1_v, EPTA)
        pltpu.sync_copy(ones_v, deg_sp.at[dst1_v], add=True)

    @pl.when(w == NW - 1)
    def _():
        _rowcopy(ei_b, 1, dst1_b, EPTB)
        pltpu.sync_copy(ones_v.at[pl.ds(0, EPTB)], deg_sp.at[dst1_b],
                        add=True)

    plsc.subcore_barrier()
    pltpu.sync_copy(deg_sp.at[pl.ds(s * SL, SL)], out_hbm.at[c, pl.ds(s * SL, SL)])


def _rsqrt16(d):
    y = 1.0 / d
    hd = 0.5 * d
    for _ in range(20):
        y = y * (1.5 - hd * y * y)
    return y


@functools.partial(
    pl.kernel,
    out_type=[
        jax.ShapeDtypeStruct((NC, N_PAD), jnp.float32),
        jax.ShapeDtypeStruct((N_PAD,), jnp.float32),
        jax.ShapeDtypeStruct((N_PAD,), jnp.float32),
    ],
    mesh=_mesh,
    scratch_types=[
        pltpu.VMEM((2, EPTA), jnp.int32),
        pltpu.VMEM((2, EPTB), jnp.int32),
        pltpu.VMEM((EPTA // 2,), jnp.int32),
        pltpu.VMEM((EPTA // 2,), jnp.int32),
        pltpu.VMEM((EPTA // 2,), jnp.int32),
        pltpu.VMEM((EPTA // 2,), jnp.int32),
        pltpu.VMEM((EPTB,), jnp.int32),
        pltpu.VMEM((EPTB,), jnp.int32),
        pltpu.VMEM((EPTA // 2,), jnp.float32),
        pltpu.VMEM((EPTA // 2,), jnp.float32),
        pltpu.VMEM((EPTB,), jnp.float32),
        pltpu.VMEM((SL,), jnp.float32),
        pltpu.VMEM((SL,), jnp.float32),
        pltpu.VMEM((SL,), jnp.float32),
        pltpu.VMEM((SL,), jnp.float32),
        pltpu.VMEM((SL,), jnp.float32),
        pltpu.VMEM((SL,), jnp.float32),
        pltpu.VMEM((SL,), jnp.float32),
        pltpu.VMEM_SHARED((N_PAD,), jnp.float32),
        pltpu.VMEM_SHARED((N_PAD,), jnp.float32),
        pltpu.SemaphoreType.DMA,
        pltpu.SemaphoreType.DMA,
        pltpu.SemaphoreType.DMA,
    ],
)
def _edge_kernel(ei_hbm, deg2_hbm, h_hbm,
                 out_hbm, dinv_hbm, base_hbm,
                 ei_v, ei_b, src_h0, src_h1, dst_h0, dst_h1, src1_b, dst1_b,
                 vals0, vals1, vals_b, zeros_v, dega_v, degb_v,
                 h_v, p_v, dinv_v, base_v, p_sp, acc_sp, sem, semg, sems):
    c = lax.axis_index("c")
    s = lax.axis_index("s")
    w = c * NS + s
    da = pltpu.async_copy(deg2_hbm.at[0, pl.ds(s * SL, SL)], dega_v, sem)
    db = pltpu.async_copy(deg2_hbm.at[1, pl.ds(s * SL, SL)], degb_v, sem)
    dh = pltpu.async_copy(h_hbm.at[pl.ds(s * SL, SL)], h_v, sem)

    @pl.when(w < NW - 1)
    def _():
        pltpu.sync_copy(ei_hbm.at[:, pl.ds(w * EPTA, EPTA)], ei_v)
        _rowcopy2(ei_v, 0, 0, src_h0, EPTA // 2)

    @pl.when(w == NW - 1)
    def _():
        pltpu.sync_copy(ei_hbm.at[:, pl.ds((NW - 1) * EPTA, EPTB)], ei_b)

    _fill(zeros_v, SL, 0.0)
    pltpu.sync_copy(zeros_v, acc_sp.at[pl.ds(s * SL, SL)])
    da.wait()
    db.wait()
    dh.wait()

    def bodyv(i, carry):
        sl = pl.ds(i * 16, 16)
        d = dega_v[sl] + degb_v[sl] + 1.0
        y = _rsqrt16(d)
        hh = h_v[sl]
        p_v[sl] = y * hh
        dinv_v[sl] = y
        base_v[sl] = hh * (y * y)
        return carry

    lax.fori_loop(0, SL // 16, bodyv, 0)
    pltpu.sync_copy(p_v, p_sp.at[pl.ds(s * SL, SL)])

    @pl.when(c == 0)
    def _():
        pltpu.sync_copy(dinv_v, dinv_hbm.at[pl.ds(s * SL, SL)])
        pltpu.sync_copy(base_v, base_hbm.at[pl.ds(s * SL, SL)])

    plsc.subcore_barrier()

    @pl.when(w < NW - 1)
    def _():
        H = EPTA // 2
        g0 = pltpu.async_copy(p_sp.at[src_h0], vals0, semg)
        _rowcopy2(ei_v, 0, H, src_h1, H)
        _rowcopy2(ei_v, 1, 0, dst_h0, H)
        _rowcopy2(ei_v, 1, H, dst_h1, H)
        g0.wait()
        s0 = pltpu.async_copy(vals0, acc_sp.at[dst_h0], sems, add=True)
        g1 = pltpu.async_copy(p_sp.at[src_h1], vals1, semg)
        g1.wait()
        s1 = pltpu.async_copy(vals1, acc_sp.at[dst_h1], sems, add=True)
        s0.wait()
        s1.wait()

    @pl.when(w == NW - 1)
    def _():
        _rowcopy(ei_b, 0, src1_b, EPTB)
        _rowcopy(ei_b, 1, dst1_b, EPTB)
        pltpu.sync_copy(p_sp.at[src1_b], vals_b)
        pltpu.sync_copy(vals_b, acc_sp.at[dst1_b], add=True)

    plsc.subcore_barrier()
    pltpu.sync_copy(acc_sp.at[pl.ds(s * SL, SL)], out_hbm.at[c, pl.ds(s * SL, SL)])


def _mv_body(x_ref, w_ref, h_ref):
    h_ref[...] = jnp.dot(x_ref[...], w_ref[...],
                         preferred_element_type=jnp.float32)[:, 0]


def _fin_body(acc2_ref, dinv_ref, base_ref, t_ref):
    out = dinv_ref[...] * (acc2_ref[0, :] + acc2_ref[1, :]) + base_ref[...]
    sp = jax.nn.softplus(out) + TAU0
    t = 1.0 / sp
    t_ref[...] = jnp.where(jnp.isinf(t), 0.0, t)


def kernel(x, edge_index, edge_attr, W):
    h = pl.pallas_call(
        _mv_body,
        grid=(N_PAD // MVB,),
        in_specs=[
            pl.BlockSpec((MVB, D), lambda i: (i, 0)),
            pl.BlockSpec((D, 1), lambda i: (0, 0)),
        ],
        out_specs=pl.BlockSpec((MVB,), lambda i: (i,)),
        out_shape=jax.ShapeDtypeStruct((N_PAD,), jnp.float32),
    )(x, W)

    deg2 = _deg_kernel(edge_index)

    acc2, dinv, base = _edge_kernel(edge_index, deg2, h)

    temp = pl.pallas_call(
        _fin_body,
        out_shape=jax.ShapeDtypeStruct((N_PAD,), jnp.float32),
    )(acc2, dinv, base)

    return temp[:N, None]

# --- scband reference (transcript-rebuilt; emitter-appended) ---
"""Pipeline reference for scband-temp-soft-plus-16226386444984 (READ-ONLY COPY).

The authoritative reference and input builder live on the scoring server;
editing this copy changes nothing except your own understanding.
"""

import jax, jax.numpy as jnp
import numpy as np

N = 10000
E = 160000
D = 256
DE = 4
TAU0 = 0.5


def setup_inputs(seed: int = 0) -> dict:
    key = jax.random.key(seed)
    k1, k2, k3, k4 = jax.random.split(key, 4)
    x = jax.random.normal(k1, (N, D), dtype=jnp.float32)
    edge_index = jax.random.randint(k2, (2, E), 0, N, dtype=jnp.int32)
    edge_attr = jax.random.normal(k3, (E, DE), dtype=jnp.float32)
    # GCN-style linear model weight (env_dim -> 1, bias=False)
    W = jax.random.normal(k4, (D, 1), dtype=jnp.float32) * 0.05
    return {"x": x, "edge_index": edge_index, "edge_attr": edge_attr, "W": W}


def reference(x, edge_index, edge_attr, W):
    # linear_model[0]: GCNConv(env_dim -> 1, bias=False), edge_attr unused by GCN
    n = x.shape[0]
    src = edge_index[0]
    dst = edge_index[1]
    loop = jnp.arange(n, dtype=edge_index.dtype)
    src = jnp.concatenate([src, loop])
    dst = jnp.concatenate([dst, loop])
    h = x @ W  # [N, 1]
    ones = jnp.ones(src.shape[0], dtype=x.dtype)
    deg = jax.ops.segment_sum(ones, dst, num_segments=n)
    dinv = jnp.where(deg > 0, jax.lax.rsqrt(deg), 0.0)
    coeff = dinv[src] * dinv[dst]
    out = jax.ops.segment_sum(coeff[:, None] * h[src], dst, num_segments=n)  # [N, 1]
    s = jax.nn.softplus(out) + TAU0
    temp = 1.0 / s
    temp = jnp.where(jnp.isinf(temp), 0.0, temp)
    return temp

if __name__ == "__main__":
    import jax
    _d = setup_inputs()
    print(jax.jit(kernel)(*tuple(_d.values())))

</pallas_src>

<mosaic_0001>
#map = affine_map<(d0, d1) -> (0, 0)>
module attributes {stable_mosaic.version = 14 : i64} {
  func.func @_deg_kernel(%arg0: i32, %arg1: i32, %arg2: memref<2x160000xi32, #tpu.memory_space<hbm>>, %arg3: memref<2x10240xf32, #tpu.memory_space<hbm>>, %arg4: memref<2x5120xi32, #tpu.memory_space<vmem>>, %arg5: memref<2x1280xi32, #tpu.memory_space<vmem>>, %arg6: memref<5120xi32, #tpu.memory_space<vmem>>, %arg7: memref<1280xi32, #tpu.memory_space<vmem>>, %arg8: memref<5120xf32, #tpu.memory_space<vmem>>, %arg9: memref<640xf32, #tpu.memory_space<vmem>>, %arg10: memref<10240xf32, #tpu.memory_space<vmem_shared>>, %arg11: memref<!tpu.dma_semaphore, #tpu.memory_space<semaphore_mem>>) attributes {dimension_semantics = [#tpu.dimension_semantics<core_parallel>, #tpu.dimension_semantics<subcore_parallel>], iteration_bounds = array<i64: 2, 16>, scalar_prefetch = 0 : i64, scratch_operands = 8 : i64, tpu.core_type = #tpu.core_type<sc_vector_subcore>, window_params = [{transform_indices = #map}, {transform_indices = #map}]} {
    %mul3A = arith.constant 16 : i32
    %mul3A_0 = arith.muli %arg0, %mul3A : i32
    %add3A = arith.addi %mul3A_0, %arg1 : i32
    %lt3A = arith.constant 31 : i32
    %lt3A_1 = arith.cmpi slt, %add3A, %lt3A : i32
    %convert_element_type3A = arith.extui %lt3A_1 : i1 to i32
    %cond3A = arith.constant 0 : i32
    %cond3A_2 = arith.cmpi ne, %convert_element_type3A, %cond3A : i32
    scf.if %cond3A_2 {
      %mul3A_24 = arith.constant 5120 : i32
      %mul3A_25 = arith.muli %add3A, %mul3A_24 : i32
      %dma_start3A = arith.constant 0 : i32
      %dma_start3A_26 = tpu.memref_slice %arg2[%dma_start3A, %mul3A_25] : memref<2x160000xi32, #tpu.memory_space<hbm>> -> memref<2x5120xi32, #tpu.memory_space<hbm>>
      %dma_start3A_27 = arith.constant 0 : i32
      %dma_start3A_28 = tpu.memref_slice %arg2[%dma_start3A_27, %mul3A_25] : memref<2x160000xi32, #tpu.memory_space<hbm>> -> memref<2x5120xi32, #tpu.memory_space<hbm>>
      tpu.enqueue_dma source(%dma_start3A_28 : memref<2x5120xi32, #tpu.memory_space<hbm>>) target(%arg4 : memref<2x5120xi32, #tpu.memory_space<vmem>>) target_semaphore(%arg11 : memref<!tpu.dma_semaphore, #tpu.memory_space<semaphore_mem>>)
      %broadcast_in_dim3A = arith.constant 1.000000e+00 : f32
      %broadcast_in_dim3A_29 = vector.broadcast %broadcast_in_dim3A : f32 to vector<16xf32>
      %scan3A = arith.constant 0 : i32
      %scan3A_30 = arith.constant 0 : i32
      %scan3A_31 = arith.constant 320 : i32
      %scan3A_32 = arith.addi %scan3A_30, %scan3A_31 : i32
      %scan3A_33 = arith.constant 1 : i32
      scf.for %scan3A_46 = %scan3A_30 to %scan3A_32 step %scan3A_33  : i32 {
        %mul3A_47 = arith.constant 16 : i32
        %mul3A_48 = arith.muli %scan3A_46, %mul3A_47 : i32
        %swap3A = arith.index_cast %mul3A_48 : i32 to index
        %swap3A_49 = tpu.vector_load %arg8[%swap3A] {strides = array<i32>} : memref<5120xf32, #tpu.memory_space<vmem>>, vector<16xf32>,
        %swap3A_50 = vector.shape_cast %swap3A_49 : vector<16xf32> to vector<16xf32>
        %swap3A_51 = vector.shape_cast %broadcast_in_dim3A_29 : vector<16xf32> to vector<16xf32>
        tpu.vector_store %arg8[%swap3A], %swap3A_51 {strides = array<i32>} : memref<5120xf32, #tpu.memory_space<vmem>>, vector<16xf32>,
      }
      %scan3A_34 = arith.constant 320 : i32
      %broadcast_in_dim3A_35 = arith.constant 0.000000e+00 : f32
      %broadcast_in_dim3A_36 = vector.broadcast %broadcast_in_dim3A_35 : f32 to vector<16xf32>
      %scan3A_37 = arith.constant 0 : i32
      %scan3A_38 = arith.constant 0 : i32
      %scan3A_39 = arith.constant 40 : i32
      %scan3A_40 = arith.addi %scan3A_38, %scan3A_39 : i32
      %scan3A_41 = arith.constant 1 : i32
      scf.for %scan3A_46 = %scan3A_38 to %scan3A_40 step %scan3A_41  : i32 {
        %mul3A_47 = arith.constant 16 : i32
        %mul3A_48 = arith.muli %scan3A_46, %mul3A_47 : i32
        %swap3A = arith.index_cast %mul3A_48 : i32 to index
        %swap3A_49 = tpu.vector_load %arg9[%swap3A] {strides = array<i32>} : memref<640xf32, #tpu.memory_space<vmem>>, vector<16xf32>,
        %swap3A_50 = vector.shape_cast %swap3A_49 : vector<16xf32> to vector<16xf32>
        %swap3A_51 = vector.shape_cast %broadcast_in_dim3A_36 : vector<16xf32> to vector<16xf32>
        tpu.vector_store %arg9[%swap3A], %swap3A_51 {strides = array<i32>} : memref<640xf32, #tpu.memory_space<vmem>>, vector<16xf32>,
      }
      %scan3A_42 = arith.constant 40 : i32
      %dma_wait3A = arith.constant 0 : i32
      %dma_wait3A_43 = tpu.memref_slice %arg2[%dma_wait3A, %mul3A_25] : memref<2x160000xi32, #tpu.memory_space<hbm>> -> memref<2x5120xi32, #tpu.memory_space<hbm>>
      %dma_wait3A_44 = arith.constant 0 : i32
      %dma_wait3A_45 = tpu.memref_slice %arg2[%dma_wait3A_44, %mul3A_25] : memref<2x160000xi32, #tpu.memory_space<hbm>> -> memref<2x5120xi32, #tpu.memory_space<hbm>>
      tpu.wait_dma2 semaphore(%arg11 : memref<!tpu.dma_semaphore, #tpu.memory_space<semaphore_mem>>) src(%dma_wait3A_45 : memref<2x5120xi32, #tpu.memory_space<hbm>>) dst(%arg4 : memref<2x5120xi32, #tpu.memory_space<vmem>>)
    } else {
    }
    %eq3A = arith.constant 31 : i32
    %eq3A_3 = arith.cmpi eq, %add3A, %eq3A : i32
    %convert_element_type3A_4 = arith.extui %eq3A_3 : i1 to i32
    %cond3A_5 = arith.constant 0 : i32
    %cond3A_6 = arith.cmpi ne, %convert_element_type3A_4, %cond3A_5 : i32
    scf.if %cond3A_6 {
      %dma_start3A = arith.constant 0 : i32
      %dma_start3A_24 = arith.constant 158720 : i32
      %dma_start3A_25 = tpu.memref_slice %arg2[%dma_start3A, %dma_start3A_24] : memref<2x160000xi32, #tpu.memory_space<hbm>> -> memref<2x1280xi32, #tpu.memory_space<hbm>>
      %dma_start3A_26 = arith.constant 0 : i32
      %dma_start3A_27 = arith.constant 158720 : i32
      %dma_start3A_28 = tpu.memref_slice %arg2[%dma_start3A_26, %dma_start3A_27] : memref<2x160000xi32, #tpu.memory_space<hbm>> -> memref<2x1280xi32, #tpu.memory_space<hbm>>
      tpu.enqueue_dma source(%dma_start3A_28 : memref<2x1280xi32, #tpu.memory_space<hbm>>) target(%arg5 : memref<2x1280xi32, #tpu.memory_space<vmem>>) target_semaphore(%arg11 : memref<!tpu.dma_semaphore, #tpu.memory_space<semaphore_mem>>)
      %broadcast_in_dim3A = arith.constant 1.000000e+00 : f32
      %broadcast_in_dim3A_29 = vector.broadcast %broadcast_in_dim3A : f32 to vector<16xf32>
      %scan3A = arith.constant 0 : i32
      %scan3A_30 = arith.constant 0 : i32
      %scan3A_31 = arith.constant 320 : i32
      %scan3A_32 = arith.addi %scan3A_30, %scan3A_31 : i32
      %scan3A_33 = arith.constant 1 : i32
      scf.for %scan3A_48 = %scan3A_30 to %scan3A_32 step %scan3A_33  : i32 {
        %mul3A_49 = arith.constant 16 : i32
        %mul3A_50 = arith.muli %scan3A_48, %mul3A_49 : i32
        %swap3A = arith.index_cast %mul3A_50 : i32 to index
        %swap3A_51 = tpu.vector_load %arg8[%swap3A] {strides = array<i32>} : memref<5120xf32, #tpu.memory_space<vmem>>, vector<16xf32>,
        %swap3A_52 = vector.shape_cast %swap3A_51 : vector<16xf32> to vector<16xf32>
        %swap3A_53 = vector.shape_cast %broadcast_in_dim3A_29 : vector<16xf32> to vector<16xf32>
        tpu.vector_store %arg8[%swap3A], %swap3A_53 {strides = array<i32>} : memref<5120xf32, #tpu.memory_space<vmem>>, vector<16xf32>,
      }
      %scan3A_34 = arith.constant 320 : i32
      %broadcast_in_dim3A_35 = arith.constant 0.000000e+00 : f32
      %broadcast_in_dim3A_36 = vector.broadcast %broadcast_in_dim3A_35 : f32 to vector<16xf32>
      %scan3A_37 = arith.constant 0 : i32
      %scan3A_38 = arith.constant 0 : i32
      %scan3A_39 = arith.constant 40 : i32
      %scan3A_40 = arith.addi %scan3A_38, %scan3A_39 : i32
      %scan3A_41 = arith.constant 1 : i32
      scf.for %scan3A_48 = %scan3A_38 to %scan3A_40 step %scan3A_41  : i32 {
        %mul3A_49 = arith.constant 16 : i32
        %mul3A_50 = arith.muli %scan3A_48, %mul3A_49 : i32
        %swap3A = arith.index_cast %mul3A_50 : i32 to index
        %swap3A_51 = tpu.vector_load %arg9[%swap3A] {strides = array<i32>} : memref<640xf32, #tpu.memory_space<vmem>>, vector<16xf32>,
        %swap3A_52 = vector.shape_cast %swap3A_51 : vector<16xf32> to vector<16xf32>
        %swap3A_53 = vector.shape_cast %broadcast_in_dim3A_36 : vector<16xf32> to vector<16xf32>
        tpu.vector_store %arg9[%swap3A], %swap3A_53 {strides = array<i32>} : memref<640xf32, #tpu.memory_space<vmem>>, vector<16xf32>,
      }
      %scan3A_42 = arith.constant 40 : i32
      %dma_wait3A = arith.constant 0 : i32
      %dma_wait3A_43 = arith.constant 158720 : i32
      %dma_wait3A_44 = tpu.memref_slice %arg2[%dma_wait3A, %dma_wait3A_43] : memref<2x160000xi32, #tpu.memory_space<hbm>> -> memref<2x1280xi32, #tpu.memory_space<hbm>>
      %dma_wait3A_45 = arith.constant 0 : i32
      %dma_wait3A_46 = arith.constant 158720 : i32
      %dma_wait3A_47 = tpu.memref_slice %arg2[%dma_wait3A_45, %dma_wait3A_46] : memref<2x160000xi32, #tpu.memory_space<hbm>> -> memref<2x1280xi32, #tpu.memory_space<hbm>>
      tpu.wait_dma2 semaphore(%arg11 : memref<!tpu.dma_semaphore, #tpu.memory_space<semaphore_mem>>) src(%dma_wait3A_47 : memref<2x1280xi32, #tpu.memory_space<hbm>>) dst(%arg5 : memref<2x1280xi32, #tpu.memory_space<vmem>>)
    } else {
    }
    %mul3A_7 = arith.constant 640 : i32
    %mul3A_8 = arith.muli %arg1, %mul3A_7 : i32
    "tpu.region"() ({
      %run_scoped3A = tpu.sem_alloc : memref<!tpu.dma_semaphore, #tpu.memory_space<semaphore_mem>>
      %dma_start3A = tpu.memref_slice %arg10[%mul3A_8] : memref<10240xf32, #tpu.memory_space<vmem_shared>> -> memref<640xf32, #tpu.memory_space<vmem_shared>>
      %dma_start3A_24 = tpu.memref_slice %arg10[%mul3A_8] : memref<10240xf32, #tpu.memory_space<vmem_shared>> -> memref<640xf32, #tpu.memory_space<vmem_shared>>
      tpu.enqueue_dma source(%arg9 : memref<640xf32, #tpu.memory_space<vmem>>) target(%dma_start3A_24 : memref<640xf32, #tpu.memory_space<vmem_shared>>) target_semaphore(%run_scoped3A : memref<!tpu.dma_semaphore, #tpu.memory_space<semaphore_mem>>)
      %dma_wait3A = tpu.memref_slice %arg10[%mul3A_8] : memref<10240xf32, #tpu.memory_space<vmem_shared>> -> memref<640xf32, #tpu.memory_space<vmem_shared>>
      %dma_wait3A_25 = tpu.memref_slice %arg10[%mul3A_8] : memref<10240xf32, #tpu.memory_space<vmem_shared>> -> memref<640xf32, #tpu.memory_space<vmem_shared>>
      tpu.wait_dma2 semaphore(%run_scoped3A : memref<!tpu.dma_semaphore, #tpu.memory_space<semaphore_mem>>) src(%arg9 : memref<640xf32, #tpu.memory_space<vmem>>) dst(%dma_wait3A_25 : memref<640xf32, #tpu.memory_space<vmem_shared>>)
      tpu.yield
    }) : () -> ()
    %barrier3A = arith.constant 0 : index
    tpu.barrier barrier_id(%barrier3A)
    %lt3A_9 = arith.constant 31 : i32
    %lt3A_10 = arith.cmpi slt, %add3A, %lt3A_9 : i32
    %convert_element_type3A_11 = arith.extui %lt3A_10 : i1 to i32
    %cond3A_12 = arith.constant 0 : i32
    %cond3A_13 = arith.cmpi ne, %convert_element_type3A_11, %cond3A_12 : i32
    scf.if %cond3A_13 {
      %scan3A = arith.constant 0 : i32
      %scan3A_24 = arith.constant 0 : i32
      %scan3A_25 = arith.constant 320 : i32
      %scan3A_26 = arith.addi %scan3A_24, %scan3A_25 : i32
      %scan3A_27 = arith.constant 1 : i32
      scf.for %scan3A_29 = %scan3A_24 to %scan3A_26 step %scan3A_27  : i32 {
        %mul3A_30 = arith.constant 16 : i32
        %mul3A_31 = arith.muli %scan3A_29, %mul3A_30 : i32
        %get3A = arith.constant 1 : i32
        %get3A_32 = arith.index_cast %get3A : i32 to index
        %get3A_33 = arith.index_cast %mul3A_31 : i32 to index
        %get3A_34 = tpu.vector_load %arg4[%get3A_32, %get3A_33] {strides = array<i32>} : memref<2x5120xi32, #tpu.memory_space<vmem>>, vector<1x16xi32>,
        %get3A_35 = vector.shape_cast %get3A_34 : vector<1x16xi32> to vector<16xi32>
        %mul3A_36 = arith.constant 16 : i32
        %mul3A_37 = arith.muli %scan3A_29, %mul3A_36 : i32
        %swap3A = arith.index_cast %mul3A_37 : i32 to index
        %swap3A_38 = tpu.vector_load %arg6[%swap3A] {strides = array<i32>} : memref<5120xi32, #tpu.memory_space<vmem>>, vector<16xi32>,
        %swap3A_39 = vector.shape_cast %swap3A_38 : vector<16xi32> to vector<16xi32>
        %swap3A_40 = vector.shape_cast %get3A_35 : vector<16xi32> to vector<16xi32>
        tpu.vector_store %arg6[%swap3A], %swap3A_40 {strides = array<i32>} : memref<5120xi32, #tpu.memory_space<vmem>>, vector<16xi32>,
      }
      %scan3A_28 = arith.constant 320 : i32
      "tpu.region"() ({
        %run_scoped3A = tpu.sem_alloc : memref<!tpu.dma_semaphore, #tpu.memory_space<semaphore_mem>>
        %dma_start3A = arith.constant 0 : i32
        %dma_start3A_29 = tpu.memref_slice %arg10[%dma_start3A] : memref<10240xf32, #tpu.memory_space<vmem_shared>> -> memref<10240xf32, #tpu.memory_space<vmem_shared>>
        tpu.enqueue_indirect_dma source(%arg8 : memref<5120xf32, #tpu.memory_space<vmem>>) target(%dma_start3A_29 : memref<10240xf32, #tpu.memory_space<vmem_shared>>) offsets(%arg6 : memref<5120xi32, #tpu.memory_space<vmem>>) semaphore(%run_scoped3A : memref<!tpu.dma_semaphore, #tpu.memory_space<semaphore_mem>>) {add = true}
        %dma_wait3A = arith.constant 0 : i32
        %dma_wait3A_30 = tpu.memref_slice %arg10[%dma_wait3A] : memref<10240xf32, #tpu.memory_space<vmem_shared>> -> memref<10240xf32, #tpu.memory_space<vmem_shared>>
        tpu.wait_indirect_dma semaphore(%run_scoped3A : memref<!tpu.dma_semaphore, #tpu.memory_space<semaphore_mem>>) src(%arg8 : memref<5120xf32, #tpu.memory_space<vmem>>) dst(%dma_wait3A_30 : memref<10240xf32, #tpu.memory_space<vmem_shared>>)
        tpu.yield
      }) : () -> ()
    } else {
    }
    %eq3A_14 = arith.constant 31 : i32
    %eq3A_15 = arith.cmpi eq, %add3A, %eq3A_14 : i32
    %convert_element_type3A_16 = arith.extui %eq3A_15 : i1 to i32
    %cond3A_17 = arith.constant 0 : i32
    %cond3A_18 = arith.cmpi ne, %convert_element_type3A_16, %cond3A_17 : i32
    scf.if %cond3A_18 {
      %scan3A = arith.constant 0 : i32
      %scan3A_24 = arith.constant 0 : i32
      %scan3A_25 = arith.constant 80 : i32
      %scan3A_26 = arith.addi %scan3A_24, %scan3A_25 : i32
      %scan3A_27 = arith.constant 1 : i32
      scf.for %scan3A_29 = %scan3A_24 to %scan3A_26 step %scan3A_27  : i32 {
        %mul3A_30 = arith.constant 16 : i32
        %mul3A_31 = arith.muli %scan3A_29, %mul3A_30 : i32
        %get3A = arith.constant 1 : i32
        %get3A_32 = arith.index_cast %get3A : i32 to index
        %get3A_33 = arith.index_cast %mul3A_31 : i32 to index
        %get3A_34 = tpu.vector_load %arg5[%get3A_32, %get3A_33] {strides = array<i32>} : memref<2x1280xi32, #tpu.memory_space<vmem>>, vector<1x16xi32>,
        %get3A_35 = vector.shape_cast %get3A_34 : vector<1x16xi32> to vector<16xi32>
        %mul3A_36 = arith.constant 16 : i32
        %mul3A_37 = arith.muli %scan3A_29, %mul3A_36 : i32
        %swap3A = arith.index_cast %mul3A_37 : i32 to index
        %swap3A_38 = tpu.vector_load %arg7[%swap3A] {strides = array<i32>} : memref<1280xi32, #tpu.memory_space<vmem>>, vector<16xi32>,
        %swap3A_39 = vector.shape_cast %swap3A_38 : vector<16xi32> to vector<16xi32>
        %swap3A_40 = vector.shape_cast %get3A_35 : vector<16xi32> to vector<16xi32>
        tpu.vector_store %arg7[%swap3A], %swap3A_40 {strides = array<i32>} : memref<1280xi32, #tpu.memory_space<vmem>>, vector<16xi32>,
      }
      %scan3A_28 = arith.constant 80 : i32
      "tpu.region"() ({
        %run_scoped3A = tpu.sem_alloc : memref<!tpu.dma_semaphore, #tpu.memory_space<semaphore_mem>>
        %dma_start3A = arith.constant 0 : i32
        %dma_start3A_29 = tpu.memref_slice %arg8[%dma_start3A] : memref<5120xf32, #tpu.memory_space<vmem>> -> memref<1280xf32, #tpu.memory_space<vmem>>
        %dma_start3A_30 = arith.constant 0 : i32
        %dma_start3A_31 = tpu.memref_slice %arg10[%dma_start3A_30] : memref<10240xf32, #tpu.memory_space<vmem_shared>> -> memref<10240xf32, #tpu.memory_space<vmem_shared>>
        tpu.enqueue_indirect_dma source(%dma_start3A_29 : memref<1280xf32, #tpu.memory_space<vmem>>) target(%dma_start3A_31 : memref<10240xf32, #tpu.memory_space<vmem_shared>>) offsets(%arg7 : memref<1280xi32, #tpu.memory_space<vmem>>) semaphore(%run_scoped3A : memref<!tpu.dma_semaphore, #tpu.memory_space<semaphore_mem>>) {add = true}
        %dma_wait3A = arith.constant 0 : i32
        %dma_wait3A_32 = tpu.memref_slice %arg8[%dma_wait3A] : memref<5120xf32, #tpu.memory_space<vmem>> -> memref<1280xf32, #tpu.memory_space<vmem>>
        %dma_wait3A_33 = arith.constant 0 : i32
        %dma_wait3A_34 = tpu.memref_slice %arg10[%dma_wait3A_33] : memref<10240xf32, #tpu.memory_space<vmem_shared>> -> memref<10240xf32, #tpu.memory_space<vmem_shared>>
        tpu.wait_indirect_dma semaphore(%run_scoped3A : memref<!tpu.dma_semaphore, #tpu.memory_space<semaphore_mem>>) src(%dma_wait3A_32 : memref<1280xf32, #tpu.memory_space<vmem>>) dst(%dma_wait3A_34 : memref<10240xf32, #tpu.memory_space<vmem_shared>>)
        tpu.yield
      }) : () -> ()
    } else {
    }
    %barrier3A_19 = arith.constant 0 : index
    tpu.barrier barrier_id(%barrier3A_19)
    %mul3A_20 = arith.constant 640 : i32
    %mul3A_21 = arith.muli %arg1, %mul3A_20 : i32
    %mul3A_22 = arith.constant 640 : i32
    %mul3A_23 = arith.muli %arg1, %mul3A_22 : i32
    "tpu.region"() ({
      %run_scoped3A = tpu.sem_alloc : memref<!tpu.dma_semaphore, #tpu.memory_space<semaphore_mem>>
      %dma_start3A = tpu.memref_slice %arg3[%arg0, %mul3A_23] : memref<2x10240xf32, #tpu.memory_space<hbm>> -> memref<1x640xf32, #tpu.memory_space<hbm>>
      %dma_start3A_24 = tpu.memref_squeeze %dma_start3A : memref<1x640xf32, #tpu.memory_space<hbm>> -> memref<640xf32, #tpu.memory_space<hbm>>
      %dma_start3A_25 = tpu.memref_slice %arg10[%mul3A_21] : memref<10240xf32, #tpu.memory_space<vmem_shared>> -> memref<640xf32, #tpu.memory_space<vmem_shared>>
      tpu.enqueue_dma source(%dma_start3A_25 : memref<640xf32, #tpu.memory_space<vmem_shared>>) target(%dma_start3A_24 : memref<640xf32, #tpu.memory_space<hbm>>) target_semaphore(%run_scoped3A : memref<!tpu.dma_semaphore, #tpu.memory_space<semaphore_mem>>)
      %dma_wait3A = tpu.memref_slice %arg3[%arg0, %mul3A_23] : memref<2x10240xf32, #tpu.memory_space<hbm>> -> memref<1x640xf32, #tpu.memory_space<hbm>>
      %dma_wait3A_26 = tpu.memref_squeeze %dma_wait3A : memref<1x640xf32, #tpu.memory_space<hbm>> -> memref<640xf32, #tpu.memory_space<hbm>>
      %dma_wait3A_27 = tpu.memref_slice %arg10[%mul3A_21] : memref<10240xf32, #tpu.memory_space<vmem_shared>> -> memref<640xf32, #tpu.memory_space<vmem_shared>>
      tpu.wait_dma2 semaphore(%run_scoped3A : memref<!tpu.dma_semaphore, #tpu.memory_space<semaphore_mem>>) src(%dma_wait3A_27 : memref<640xf32, #tpu.memory_space<vmem_shared>>) dst(%dma_wait3A_26 : memref<640xf32, #tpu.memory_space<hbm>>)
      tpu.yield
    }) : () -> ()
    return
  }
}

#map = affine_map<(d0, d1) -> (0, 0)>
#map1 = affine_map<(d0, d1) -> (0)>
module attributes {stable_mosaic.version = 14 : i64} {
  func.func @_edge_kernel(%arg0: i32, %arg1: i32, %arg2: memref<2x160000xi32, #tpu.memory_space<hbm>>, %arg3: memref<2x10240xf32, #tpu.memory_space<hbm>>, %arg4: memref<10240xf32, #tpu.memory_space<hbm>>, %arg5: memref<2x10240xf32, #tpu.memory_space<hbm>>, %arg6: memref<10240xf32, #tpu.memory_space<hbm>>, %arg7: memref<10240xf32, #tpu.memory_space<hbm>>, %arg8: memref<2x5120xi32, #tpu.memory_space<vmem>>, %arg9: memref<2x1280xi32, #tpu.memory_space<vmem>>, %arg10: memref<2560xi32, #tpu.memory_space<vmem>>, %arg11: memref<2560xi32, #tpu.memory_space<vmem>>, %arg12: memref<2560xi32, #tpu.memory_space<vmem>>, %arg13: memref<2560xi32, #tpu.memory_space<vmem>>, %arg14: memref<1280xi32, #tpu.memory_space<vmem>>, %arg15: memref<1280xi32, #tpu.memory_space<vmem>>, %arg16: memref<2560xf32, #tpu.memory_space<vmem>>, %arg17: memref<2560xf32, #tpu.memory_space<vmem>>, %arg18: memref<1280xf32, #tpu.memory_space<vmem>>, %arg19: memref<640xf32, #tpu.memory_space<vmem>>, %arg20: memref<640xf32, #tpu.memory_space<vmem>>, %arg21: memref<640xf32, #tpu.memory_space<vmem>>, %arg22: memref<640xf32, #tpu.memory_space<vmem>>, %arg23: memref<640xf32, #tpu.memory_space<vmem>>, %arg24: memref<640xf32, #tpu.memory_space<vmem>>, %arg25: memref<640xf32, #tpu.memory_space<vmem>>, %arg26: memref<10240xf32, #tpu.memory_space<vmem_shared>>, %arg27: memref<10240xf32, #tpu.memory_space<vmem_shared>>, %arg28: memref<!tpu.dma_semaphore, #tpu.memory_space<semaphore_mem>>, %arg29: memref<!tpu.dma_semaphore, #tpu.memory_space<semaphore_mem>>, %arg30: memref<!tpu.dma_semaphore, #tpu.memory_space<semaphore_mem>>) attributes {dimension_semantics = [#tpu.dimension_semantics<core_parallel>, #tpu.dimension_semantics<subcore_parallel>], iteration_bounds = array<i64: 2, 16>, scalar_prefetch = 0 : i64, scratch_operands = 23 : i64, tpu.core_type = #tpu.core_type<sc_vector_subcore>, window_params = [{transform_indices = #map}, {transform_indices = #map}, {transform_indices = #map1}, {transform_indices = #map}, {transform_indices = #map1}, {transform_indices = #map1}]} {
    %mul3A = arith.constant 16 : i32
    %mul3A_0 = arith.muli %arg0, %mul3A : i32
    %add3A = arith.addi %mul3A_0, %arg1 : i32
    %mul3A_1 = arith.constant 640 : i32
    %mul3A_2 = arith.muli %arg1, %mul3A_1 : i32
    %dma_start3A = arith.constant 0 : i32
    %dma_start3A_3 = tpu.memref_slice %arg3[%dma_start3A, %mul3A_2] : memref<2x10240xf32, #tpu.memory_space<hbm>> -> memref<1x640xf32, #tpu.memory_space<hbm>>
    %dma_start3A_4 = tpu.memref_squeeze %dma_start3A_3 : memref<1x640xf32, #tpu.memory_space<hbm>> -> memref<640xf32, #tpu.memory_space<hbm>>
    %dma_start3A_5 = tpu.memref_slice %arg3[%dma_start3A, %mul3A_2] : memref<2x10240xf32, #tpu.memory_space<hbm>> -> memref<1x640xf32, #tpu.memory_space<hbm>>
    %dma_start3A_6 = tpu.memref_squeeze %dma_start3A_5 : memref<1x640xf32, #tpu.memory_space<hbm>> -> memref<640xf32, #tpu.memory_space<hbm>>
    tpu.enqueue_dma source(%dma_start3A_6 : memref<640xf32, #tpu.memory_space<hbm>>) target(%arg20 : memref<640xf32, #tpu.memory_space<vmem>>) target_semaphore(%arg28 : memref<!tpu.dma_semaphore, #tpu.memory_space<semaphore_mem>>)
    %mul3A_7 = arith.constant 640 : i32
    %mul3A_8 = arith.muli %arg1, %mul3A_7 : i32
    %dma_start3A_9 = arith.constant 1 : i32
    %dma_start3A_10 = tpu.memref_slice %arg3[%dma_start3A_9, %mul3A_8] : memref<2x10240xf32, #tpu.memory_space<hbm>> -> memref<1x640xf32, #tpu.memory_space<hbm>>
    %dma_start3A_11 = tpu.memref_squeeze %dma_start3A_10 : memref<1x640xf32, #tpu.memory_space<hbm>> -> memref<640xf32, #tpu.memory_space<hbm>>
    %dma_start3A_12 = tpu.memref_slice %arg3[%dma_start3A_9, %mul3A_8] : memref<2x10240xf32, #tpu.memory_space<hbm>> -> memref<1x640xf32, #tpu.memory_space<hbm>>
    %dma_start3A_13 = tpu.memref_squeeze %dma_start3A_12 : memref<1x640xf32, #tpu.memory_space<hbm>> -> memref<640xf32, #tpu.memory_space<hbm>>
    tpu.enqueue_dma source(%dma_start3A_13 : memref<640xf32, #tpu.memory_space<hbm>>) target(%arg21 : memref<640xf32, #tpu.memory_space<vmem>>) target_semaphore(%arg28 : memref<!tpu.dma_semaphore, #tpu.memory_space<semaphore_mem>>)
    %mul3A_14 = arith.constant 640 : i32
    %mul3A_15 = arith.muli %arg1, %mul3A_14 : i32
    %dma_start3A_16 = tpu.memref_slice %arg4[%mul3A_15] : memref<10240xf32, #tpu.memory_space<hbm>> -> memref<640xf32, #tpu.memory_space<hbm>>
    %dma_start3A_17 = tpu.memref_slice %arg4[%mul3A_15] : memref<10240xf32, #tpu.memory_space<hbm>> -> memref<640xf32, #tpu.memory_space<hbm>>
    tpu.enqueue_dma source(%dma_start3A_17 : memref<640xf32, #tpu.memory_space<hbm>>) target(%arg22 : memref<640xf32, #tpu.memory_space<vmem>>) target_semaphore(%arg28 : memref<!tpu.dma_semaphore, #tpu.memory_space<semaphore_mem>>)
    %lt3A = arith.constant 31 : i32
    %lt3A_18 = arith.cmpi slt, %add3A, %lt3A : i32
    %convert_element_type3A = arith.extui %lt3A_18 : i1 to i32
    %cond3A = arith.constant 0 : i32
    %cond3A_19 = arith.cmpi ne, %convert_element_type3A, %cond3A : i32
    scf.if %cond3A_19 {
      %mul3A_71 = arith.constant 5120 : i32
      %mul3A_72 = arith.muli %add3A, %mul3A_71 : i32
      "tpu.region"() ({
        %run_scoped3A = tpu.sem_alloc : memref<!tpu.dma_semaphore, #tpu.memory_space<semaphore_mem>>
        %dma_start3A_79 = arith.constant 0 : i32
        %dma_start3A_80 = tpu.memref_slice %arg2[%dma_start3A_79, %mul3A_72] : memref<2x160000xi32, #tpu.memory_space<hbm>> -> memref<2x5120xi32, #tpu.memory_space<hbm>>
        %dma_start3A_81 = arith.constant 0 : i32
        %dma_start3A_82 = tpu.memref_slice %arg2[%dma_start3A_81, %mul3A_72] : memref<2x160000xi32, #tpu.memory_space<hbm>> -> memref<2x5120xi32, #tpu.memory_space<hbm>>
        tpu.enqueue_dma source(%dma_start3A_82 : memref<2x5120xi32, #tpu.memory_space<hbm>>) target(%arg8 : memref<2x5120xi32, #tpu.memory_space<vmem>>) target_semaphore(%run_scoped3A : memref<!tpu.dma_semaphore, #tpu.memory_space<semaphore_mem>>)
        %dma_wait3A_83 = arith.constant 0 : i32
        %dma_wait3A_84 = tpu.memref_slice %arg2[%dma_wait3A_83, %mul3A_72] : memref<2x160000xi32, #tpu.memory_space<hbm>> -> memref<2x5120xi32, #tpu.memory_space<hbm>>
        %dma_wait3A_85 = arith.constant 0 : i32
        %dma_wait3A_86 = tpu.memref_slice %arg2[%dma_wait3A_85, %mul3A_72] : memref<2x160000xi32, #tpu.memory_space<hbm>> -> memref<2x5120xi32, #tpu.memory_space<hbm>>
        tpu.wait_dma2 semaphore(%run_scoped3A : memref<!tpu.dma_semaphore, #tpu.memory_space<semaphore_mem>>) src(%dma_wait3A_86 : memref<2x5120xi32, #tpu.memory_space<hbm>>) dst(%arg8 : memref<2x5120xi32, #tpu.memory_space<vmem>>)
        tpu.yield
      }) : () -> ()
      %scan3A_73 = arith.constant 0 : i32
      %scan3A_74 = arith.constant 0 : i32
      %scan3A_75 = arith.constant 160 : i32
      %scan3A_76 = arith.addi %scan3A_74, %scan3A_75 : i32
      %scan3A_77 = arith.constant 1 : i32
      scf.for %scan3A_79 = %scan3A_74 to %scan3A_76 step %scan3A_77  : i32 {
        %mul3A_80 = arith.constant 16 : i32
        %mul3A_81 = arith.muli %scan3A_79, %mul3A_80 : i32
        %add3A_82 = arith.constant 0 : i32
        %add3A_83 = arith.addi %add3A_82, %mul3A_81 : i32
        %get3A = arith.constant 0 : i32
        %get3A_84 = arith.index_cast %get3A : i32 to index
        %get3A_85 = arith.index_cast %add3A_83 : i32 to index
        %get3A_86 = tpu.vector_load %arg8[%get3A_84, %get3A_85] {strides = array<i32>} : memref<2x5120xi32, #tpu.memory_space<vmem>>, vector<1x16xi32>,
        %get3A_87 = vector.shape_cast %get3A_86 : vector<1x16xi32> to vector<16xi32>
        %mul3A_88 = arith.constant 16 : i32
        %mul3A_89 = arith.muli %scan3A_79, %mul3A_88 : i32
        %swap3A = arith.index_cast %mul3A_89 : i32 to index
        %swap3A_90 = tpu.vector_load %arg10[%swap3A] {strides = array<i32>} : memref<2560xi32, #tpu.memory_space<vmem>>, vector<16xi32>,
        %swap3A_91 = vector.shape_cast %swap3A_90 : vector<16xi32> to vector<16xi32>
        %swap3A_92 = vector.shape_cast %get3A_87 : vector<16xi32> to vector<16xi32>
        tpu.vector_store %arg10[%swap3A], %swap3A_92 {strides = array<i32>} : memref<2560xi32, #tpu.memory_space<vmem>>, vector<16xi32>,
      }
      %scan3A_78 = arith.constant 160 : i32
    } else {
    }
    %eq3A = arith.constant 31 : i32
    %eq3A_20 = arith.cmpi eq, %add3A, %eq3A : i32
    %convert_element_type3A_21 = arith.extui %eq3A_20 : i1 to i32
    %cond3A_22 = arith.constant 0 : i32
    %cond3A_23 = arith.cmpi ne, %convert_element_type3A_21, %cond3A_22 : i32
    scf.if %cond3A_23 {
      "tpu.region"() ({
        %run_scoped3A = tpu.sem_alloc : memref<!tpu.dma_semaphore, #tpu.memory_space<semaphore_mem>>
        %dma_start3A_71 = arith.constant 0 : i32
        %dma_start3A_72 = arith.constant 158720 : i32
        %dma_start3A_73 = tpu.memref_slice %arg2[%dma_start3A_71, %dma_start3A_72] : memref<2x160000xi32, #tpu.memory_space<hbm>> -> memref<2x1280xi32, #tpu.memory_space<hbm>>
        %dma_start3A_74 = arith.constant 0 : i32
        %dma_start3A_75 = arith.constant 158720 : i32
        %dma_start3A_76 = tpu.memref_slice %arg2[%dma_start3A_74, %dma_start3A_75] : memref<2x160000xi32, #tpu.memory_space<hbm>> -> memref<2x1280xi32, #tpu.memory_space<hbm>>
        tpu.enqueue_dma source(%dma_start3A_76 : memref<2x1280xi32, #tpu.memory_space<hbm>>) target(%arg9 : memref<2x1280xi32, #tpu.memory_space<vmem>>) target_semaphore(%run_scoped3A : memref<!tpu.dma_semaphore, #tpu.memory_space<semaphore_mem>>)
        %dma_wait3A_77 = arith.constant 0 : i32
        %dma_wait3A_78 = arith.constant 158720 : i32
        %dma_wait3A_79 = tpu.memref_slice %arg2[%dma_wait3A_77, %dma_wait3A_78] : memref<2x160000xi32, #tpu.memory_space<hbm>> -> memref<2x1280xi32, #tpu.memory_space<hbm>>
        %dma_wait3A_80 = arith.constant 0 : i32
        %dma_wait3A_81 = arith.constant 158720 : i32
        %dma_wait3A_82 = tpu.memref_slice %arg2[%dma_wait3A_80, %dma_wait3A_81] : memref<2x160000xi32, #tpu.memory_space<hbm>> -> memref<2x1280xi32, #tpu.memory_space<hbm>>
        tpu.wait_dma2 semaphore(%run_scoped3A : memref<!tpu.dma_semaphore, #tpu.memory_space<semaphore_mem>>) src(%dma_wait3A_82 : memref<2x1280xi32, #tpu.memory_space<hbm>>) dst(%arg9 : memref<2x1280xi32, #tpu.memory_space<vmem>>)
        tpu.yield
      }) : () -> ()
    } else {
    }
    %broadcast_in_dim3A = arith.constant 0.000000e+00 : f32
    %broadcast_in_dim3A_24 = vector.broadcast %broadcast_in_dim3A : f32 to vector<16xf32>
    %scan3A = arith.constant 0 : i32
    %scan3A_25 = arith.constant 0 : i32
    %scan3A_26 = arith.constant 40 : i32
    %scan3A_27 = arith.addi %scan3A_25, %scan3A_26 : i32
    %scan3A_28 = arith.constant 1 : i32
    scf.for %scan3A_71 = %scan3A_25 to %scan3A_27 step %scan3A_28  : i32 {
      %mul3A_72 = arith.constant 16 : i32
      %mul3A_73 = arith.muli %scan3A_71, %mul3A_72 : i32
      %swap3A = arith.index_cast %mul3A_73 : i32 to index
      %swap3A_74 = tpu.vector_load %arg19[%swap3A] {strides = array<i32>} : memref<640xf32, #tpu.memory_space<vmem>>, vector<16xf32>,
      %swap3A_75 = vector.shape_cast %swap3A_74 : vector<16xf32> to vector<16xf32>
      %swap3A_76 = vector.shape_cast %broadcast_in_dim3A_24 : vector<16xf32> to vector<16xf32>
      tpu.vector_store %arg19[%swap3A], %swap3A_76 {strides = array<i32>} : memref<640xf32, #tpu.memory_space<vmem>>, vector<16xf32>,
    }
    %scan3A_29 = arith.constant 40 : i32
    %mul3A_30 = arith.constant 640 : i32
    %mul3A_31 = arith.muli %arg1, %mul3A_30 : i32
    "tpu.region"() ({
      %run_scoped3A = tpu.sem_alloc : memref<!tpu.dma_semaphore, #tpu.memory_space<semaphore_mem>>
      %dma_start3A_71 = tpu.memref_slice %arg27[%mul3A_31] : memref<10240xf32, #tpu.memory_space<vmem_shared>> -> memref<640xf32, #tpu.memory_space<vmem_shared>>
      %dma_start3A_72 = tpu.memref_slice %arg27[%mul3A_31] : memref<10240xf32, #tpu.memory_space<vmem_shared>> -> memref<640xf32, #tpu.memory_space<vmem_shared>>
      tpu.enqueue_dma source(%arg19 : memref<640xf32, #tpu.memory_space<vmem>>) target(%dma_start3A_72 : memref<640xf32, #tpu.memory_space<vmem_shared>>) target_semaphore(%run_scoped3A : memref<!tpu.dma_semaphore, #tpu.memory_space<semaphore_mem>>)
      %dma_wait3A_73 = tpu.memref_slice %arg27[%mul3A_31] : memref<10240xf32, #tpu.memory_space<vmem_shared>> -> memref<640xf32, #tpu.memory_space<vmem_shared>>
      %dma_wait3A_74 = tpu.memref_slice %arg27[%mul3A_31] : memref<10240xf32, #tpu.memory_space<vmem_shared>> -> memref<640xf32, #tpu.memory_space<vmem_shared>>
      tpu.wait_dma2 semaphore(%run_scoped3A : memref<!tpu.dma_semaphore, #tpu.memory_space<semaphore_mem>>) src(%arg19 : memref<640xf32, #tpu.memory_space<vmem>>) dst(%dma_wait3A_74 : memref<640xf32, #tpu.memory_space<vmem_shared>>)
      tpu.yield
    }) : () -> ()
    %dma_wait3A = arith.constant 0 : i32
    %dma_wait3A_32 = tpu.memref_slice %arg3[%dma_wait3A, %mul3A_2] : memref<2x10240xf32, #tpu.memory_space<hbm>> -> memref<1x640xf32, #tpu.memory_space<hbm>>
    %dma_wait3A_33 = tpu.memref_squeeze %dma_wait3A_32 : memref<1x640xf32, #tpu.memory_space<hbm>> -> memref<640xf32, #tpu.memory_space<hbm>>
    %dma_wait3A_34 = tpu.memref_slice %arg3[%dma_wait3A, %mul3A_2] : memref<2x10240xf32, #tpu.memory_space<hbm>> -> memref<1x640xf32, #tpu.memory_space<hbm>>
    %dma_wait3A_35 = tpu.memref_squeeze %dma_wait3A_34 : memref<1x640xf32, #tpu.memory_space<hbm>> -> memref<640xf32, #tpu.memory_space<hbm>>
    tpu.wait_dma2 semaphore(%arg28 : memref<!tpu.dma_semaphore, #tpu.memory_space<semaphore_mem>>) src(%dma_wait3A_35 : memref<640xf32, #tpu.memory_space<hbm>>) dst(%arg20 : memref<640xf32, #tpu.memory_space<vmem>>)
    %dma_wait3A_36 = arith.constant 1 : i32
    %dma_wait3A_37 = tpu.memref_slice %arg3[%dma_wait3A_36, %mul3A_8] : memref<2x10240xf32, #tpu.memory_space<hbm>> -> memref<1x640xf32, #tpu.memory_space<hbm>>
    %dma_wait3A_38 = tpu.memref_squeeze %dma_wait3A_37 : memref<1x640xf32, #tpu.memory_space<hbm>> -> memref<640xf32, #tpu.memory_space<hbm>>
    %dma_wait3A_39 = tpu.memref_slice %arg3[%dma_wait3A_36, %mul3A_8] : memref<2x10240xf32, #tpu.memory_space<hbm>> -> memref<1x640xf32, #tpu.memory_space<hbm>>
    %dma_wait3A_40 = tpu.memref_squeeze %dma_wait3A_39 : memref<1x640xf32, #tpu.memory_space<hbm>> -> memref<640xf32, #tpu.memory_space<hbm>>
    tpu.wait_dma2 semaphore(%arg28 : memref<!tpu.dma_semaphore, #tpu.memory_space<semaphore_mem>>) src(%dma_wait3A_40 : memref<640xf32, #tpu.memory_space<hbm>>) dst(%arg21 : memref<640xf32, #tpu.memory_space<vmem>>)
    %dma_wait3A_41 = tpu.memref_slice %arg4[%mul3A_15] : memref<10240xf32, #tpu.memory_space<hbm>> -> memref<640xf32, #tpu.memory_space<hbm>>
    %dma_wait3A_42 = tpu.memref_slice %arg4[%mul3A_15] : memref<10240xf32, #tpu.memory_space<hbm>> -> memref<640xf32, #tpu.memory_space<hbm>>
    tpu.wait_dma2 semaphore(%arg28 : memref<!tpu.dma_semaphore, #tpu.memory_space<semaphore_mem>>) src(%dma_wait3A_42 : memref<640xf32, #tpu.memory_space<hbm>>) dst(%arg22 : memref<640xf32, #tpu.memory_space<vmem>>)
    %scan3A_43 = arith.constant 0 : i32
    %scan3A_44 = arith.constant 0 : i32
    %scan3A_45 = arith.constant 40 : i32
    %scan3A_46 = arith.addi %scan3A_44, %scan3A_45 : i32
    %scan3A_47 = arith.constant 1 : i32
    scf.for %scan3A_71 = %scan3A_44 to %scan3A_46 step %scan3A_47  : i32 {
      %mul3A_72 = arith.constant 16 : i32
      %mul3A_73 = arith.muli %scan3A_71, %mul3A_72 : i32
      %get3A = arith.index_cast %mul3A_73 : i32 to index
      %get3A_74 = tpu.vector_load %arg20[%get3A] {strides = array<i32>} : memref<640xf32, #tpu.memory_space<vmem>>, vector<16xf32>,
      %get3A_75 = vector.shape_cast %get3A_74 : vector<16xf32> to vector<16xf32>
      %get3A_76 = arith.index_cast %mul3A_73 : i32 to index
      %get3A_77 = tpu.vector_load %arg21[%get3A_76] {strides = array<i32>} : memref<640xf32, #tpu.memory_space<vmem>>, vector<16xf32>,
      %get3A_78 = vector.shape_cast %get3A_77 : vector<16xf32> to vector<16xf32>
      %add3A_79 = arith.addf %get3A_75, %get3A_78 : vector<16xf32>
      %add3A_80 = arith.constant 1.000000e+00 : f32
      %add3A_81 = vector.broadcast %add3A_80 : f32 to vector<16xf32>
      %add3A_82 = arith.addf %add3A_79, %add3A_81 : vector<16xf32>
      %div3A = arith.constant 1.000000e+00 : f32
      %div3A_83 = vector.broadcast %div3A : f32 to vector<16xf32>
      %div3A_84 = arith.divf %div3A_83, %add3A_82 : vector<16xf32>
      %mul3A_85 = arith.constant 5.000000e-01 : f32
      %mul3A_86 = vector.broadcast %mul3A_85 : f32 to vector<16xf32>
      %mul3A_87 = arith.mulf %mul3A_86, %add3A_82 : vector<16xf32>
      %mul3A_88 = arith.mulf %mul3A_87, %div3A_84 : vector<16xf32>
      %mul3A_89 = arith.mulf %mul3A_88, %div3A_84 : vector<16xf32>
      %sub3A = arith.constant 1.500000e+00 : f32
      %sub3A_90 = vector.broadcast %sub3A : f32 to vector<16xf32>
      %sub3A_91 = arith.subf %sub3A_90, %mul3A_89 : vector<16xf32>
      %mul3A_92 = arith.mulf %div3A_84, %sub3A_91 : vector<16xf32>
      %mul3A_93 = arith.mulf %mul3A_87, %mul3A_92 : vector<16xf32>
      %mul3A_94 = arith.mulf %mul3A_93, %mul3A_92 : vector<16xf32>
      %sub3A_95 = arith.constant 1.500000e+00 : f32
      %sub3A_96 = vector.broadcast %sub3A_95 : f32 to vector<16xf32>
      %sub3A_97 = arith.subf %sub3A_96, %mul3A_94 : vector<16xf32>
      %mul3A_98 = arith.mulf %mul3A_92, %sub3A_97 : vector<16xf32>
      %mul3A_99 = arith.mulf %mul3A_87, %mul3A_98 : vector<16xf32>
      %mul3A_100 = arith.mulf %mul3A_99, %mul3A_98 : vector<16xf32>
      %sub3A_101 = arith.constant 1.500000e+00 : f32
      %sub3A_102 = vector.broadcast %sub3A_101 : f32 to vector<16xf32>
      %sub3A_103 = arith.subf %sub3A_102, %mul3A_100 : vector<16xf32>
      %mul3A_104 = arith.mulf %mul3A_98, %sub3A_103 : vector<16xf32>
      %mul3A_105 = arith.mulf %mul3A_87, %mul3A_104 : vector<16xf32>
      %mul3A_106 = arith.mulf %mul3A_105, %mul3A_104 : vector<16xf32>
      %sub3A_107 = arith.constant 1.500000e+00 : f32
      %sub3A_108 = vector.broadcast %sub3A_107 : f32 to vector<16xf32>
      %sub3A_109 = arith.subf %sub3A_108, %mul3A_106 : vector<16xf32>
      %mul3A_110 = arith.mulf %mul3A_104, %sub3A_109 : vector<16xf32>
      %mul3A_111 = arith.mulf %mul3A_87, %mul3A_110 : vector<16xf32>
      %mul3A_112 = arith.mulf %mul3A_111, %mul3A_110 : vector<16xf32>
      %sub3A_113 = arith.constant 1.500000e+00 : f32
      %sub3A_114 = vector.broadcast %sub3A_113 : f32 to vector<16xf32>
      %sub3A_115 = arith.subf %sub3A_114, %mul3A_112 : vector<16xf32>
      %mul3A_116 = arith.mulf %mul3A_110, %sub3A_115 : vector<16xf32>
      %mul3A_117 = arith.mulf %mul3A_87, %mul3A_116 : vector<16xf32>
      %mul3A_118 = arith.mulf %mul3A_117, %mul3A_116 : vector<16xf32>
      %sub3A_119 = arith.constant 1.500000e+00 : f32
      %sub3A_120 = vector.broadcast %sub3A_119 : f32 to vector<16xf32>
      %sub3A_121 = arith.subf %sub3A_120, %mul3A_118 : vector<16xf32>
      %mul3A_122 = arith.mulf %mul3A_116, %sub3A_121 : vector<16xf32>
      %mul3A_123 = arith.mulf %mul3A_87, %mul3A_122 : vector<16xf32>
      %mul3A_124 = arith.mulf %mul3A_123, %mul3A_122 : vector<16xf32>
      %sub3A_125 = arith.constant 1.500000e+00 : f32
      %sub3A_126 = vector.broadcast %sub3A_125 : f32 to vector<16xf32>
      %sub3A_127 = arith.subf %sub3A_126, %mul3A_124 : vector<16xf32>
      %mul3A_128 = arith.mulf %mul3A_122, %sub3A_127 : vector<16xf32>
      %mul3A_129 = arith.mulf %mul3A_87, %mul3A_128 : vector<16xf32>
      %mul3A_130 = arith.mulf %mul3A_129, %mul3A_128 : vector<16xf32>
      %sub3A_131 = arith.constant 1.500000e+00 : f32
      %sub3A_132 = vector.broadcast %sub3A_131 : f32 to vector<16xf32>
      %sub3A_133 = arith.subf %sub3A_132, %mul3A_130 : vector<16xf32>
      %mul3A_134 = arith.mulf %mul3A_128, %sub3A_133 : vector<16xf32>
      %mul3A_135 = arith.mulf %mul3A_87, %mul3A_134 : vector<16xf32>
      %mul3A_136 = arith.mulf %mul3A_135, %mul3A_134 : vector<16xf32>
      %sub3A_137 = arith.constant 1.500000e+00 : f32
      %sub3A_138 = vector.broadcast %sub3A_137 : f32 to vector<16xf32>
      %sub3A_139 = arith.subf %sub3A_138, %mul3A_136 : vector<16xf32>
      %mul3A_140 = arith.mulf %mul3A_134, %sub3A_139 : vector<16xf32>
      %mul3A_141 = arith.mulf %mul3A_87, %mul3A_140 : vector<16xf32>
      %mul3A_142 = arith.mulf %mul3A_141, %mul3A_140 : vector<16xf32>
      %sub3A_143 = arith.constant 1.500000e+00 : f32
      %sub3A_144 = vector.broadcast %sub3A_143 : f32 to vector<16xf32>
      %sub3A_145 = arith.subf %sub3A_144, %mul3A_142 : vector<16xf32>
      %mul3A_146 = arith.mulf %mul3A_140, %sub3A_145 : vector<16xf32>
      %mul3A_147 = arith.mulf %mul3A_87, %mul3A_146 : vector<16xf32>
      %mul3A_148 = arith.mulf %mul3A_147, %mul3A_146 : vector<16xf32>
      %sub3A_149 = arith.constant 1.500000e+00 : f32
      %sub3A_150 = vector.broadcast %sub3A_149 : f32 to vector<16xf32>
      %sub3A_151 = arith.subf %sub3A_150, %mul3A_148 : vector<16xf32>
      %mul3A_152 = arith.mulf %mul3A_146, %sub3A_151 : vector<16xf32>
      %mul3A_153 = arith.mulf %mul3A_87, %mul3A_152 : vector<16xf32>
      %mul3A_154 = arith.mulf %mul3A_153, %mul3A_152 : vector<16xf32>
      %sub3A_155 = arith.constant 1.500000e+00 : f32
      %sub3A_156 = vector.broadcast %sub3A_155 : f32 to vector<16xf32>
      %sub3A_157 = arith.subf %sub3A_156, %mul3A_154 : vector<16xf32>
      %mul3A_158 = arith.mulf %mul3A_152, %sub3A_157 : vector<16xf32>
      %mul3A_159 = arith.mulf %mul3A_87, %mul3A_158 : vector<16xf32>
      %mul3A_160 = arith.mulf %mul3A_159, %mul3A_158 : vector<16xf32>
      %sub3A_161 = arith.constant 1.500000e+00 : f32
      %sub3A_162 = vector.broadcast %sub3A_161 : f32 to vector<16xf32>
      %sub3A_163 = arith.subf %sub3A_162, %mul3A_160 : vector<16xf32>
      %mul3A_164 = arith.mulf %mul3A_158, %sub3A_163 : vector<16xf32>
      %mul3A_165 = arith.mulf %mul3A_87, %mul3A_164 : vector<16xf32>
      %mul3A_166 = arith.mulf %mul3A_165, %mul3A_164 : vector<16xf32>
      %sub3A_167 = arith.constant 1.500000e+00 : f32
      %sub3A_168 = vector.broadcast %sub3A_167 : f32 to vector<16xf32>
      %sub3A_169 = arith.subf %sub3A_168, %mul3A_166 : vector<16xf32>
      %mul3A_170 = arith.mulf %mul3A_164, %sub3A_169 : vector<16xf32>
      %mul3A_171 = arith.mulf %mul3A_87, %mul3A_170 : vector<16xf32>
      %mul3A_172 = arith.mulf %mul3A_171, %mul3A_170 : vector<16xf32>
      %sub3A_173 = arith.constant 1.500000e+00 : f32
      %sub3A_174 = vector.broadcast %sub3A_173 : f32 to vector<16xf32>
      %sub3A_175 = arith.subf %sub3A_174, %mul3A_172 : vector<16xf32>
      %mul3A_176 = arith.mulf %mul3A_170, %sub3A_175 : vector<16xf32>
      %mul3A_177 = arith.mulf %mul3A_87, %mul3A_176 : vector<16xf32>
      %mul3A_178 = arith.mulf %mul3A_177, %mul3A_176 : vector<16xf32>
      %sub3A_179 = arith.constant 1.500000e+00 : f32
      %sub3A_180 = vector.broadcast %sub3A_179 : f32 to vector<16xf32>
      %sub3A_181 = arith.subf %sub3A_180, %mul3A_178 : vector<16xf32>
      %mul3A_182 = arith.mulf %mul3A_176, %sub3A_181 : vector<16xf32>
      %mul3A_183 = arith.mulf %mul3A_87, %mul3A_182 : vector<16xf32>
      %mul3A_184 = arith.mulf %mul3A_183, %mul3A_182 : vector<16xf32>
      %sub3A_185 = arith.constant 1.500000e+00 : f32
      %sub3A_186 = vector.broadcast %sub3A_185 : f32 to vector<16xf32>
      %sub3A_187 = arith.subf %sub3A_186, %mul3A_184 : vector<16xf32>
      %mul3A_188 = arith.mulf %mul3A_182, %sub3A_187 : vector<16xf32>
      %mul3A_189 = arith.mulf %mul3A_87, %mul3A_188 : vector<16xf32>
      %mul3A_190 = arith.mulf %mul3A_189, %mul3A_188 : vector<16xf32>
      %sub3A_191 = arith.constant 1.500000e+00 : f32
      %sub3A_192 = vector.broadcast %sub3A_191 : f32 to vector<16xf32>
      %sub3A_193 = arith.subf %sub3A_192, %mul3A_190 : vector<16xf32>
      %mul3A_194 = arith.mulf %mul3A_188, %sub3A_193 : vector<16xf32>
      %mul3A_195 = arith.mulf %mul3A_87, %mul3A_194 : vector<16xf32>
      %mul3A_196 = arith.mulf %mul3A_195, %mul3A_194 : vector<16xf32>
      %sub3A_197 = arith.constant 1.500000e+00 : f32
      %sub3A_198 = vector.broadcast %sub3A_197 : f32 to vector<16xf32>
      %sub3A_199 = arith.subf %sub3A_198, %mul3A_196 : vector<16xf32>
      %mul3A_200 = arith.mulf %mul3A_194, %sub3A_199 : vector<16xf32>
      %mul3A_201 = arith.mulf %mul3A_87, %mul3A_200 : vector<16xf32>
      %mul3A_202 = arith.mulf %mul3A_201, %mul3A_200 : vector<16xf32>
      %sub3A_203 = arith.constant 1.500000e+00 : f32
      %sub3A_204 = vector.broadcast %sub3A_203 : f32 to vector<16xf32>
      %sub3A_205 = arith.subf %sub3A_204, %mul3A_202 : vector<16xf32>
      %mul3A_206 = arith.mulf %mul3A_200, %sub3A_205 : vector<16xf32>
      %get3A_207 = arith.index_cast %mul3A_73 : i32 to index
      %get3A_208 = tpu.vector_load %arg22[%get3A_207] {strides = array<i32>} : memref<640xf32, #tpu.memory_space<vmem>>, vector<16xf32>,
      %get3A_209 = vector.shape_cast %get3A_208 : vector<16xf32> to vector<16xf32>
      %mul3A_210 = arith.mulf %mul3A_206, %get3A_209 : vector<16xf32>
      %swap3A = arith.index_cast %mul3A_73 : i32 to index
      %swap3A_211 = tpu.vector_load %arg23[%swap3A] {strides = array<i32>} : memref<640xf32, #tpu.memory_space<vmem>>, vector<16xf32>,
      %swap3A_212 = vector.shape_cast %swap3A_211 : vector<16xf32> to vector<16xf32>
      %swap3A_213 = vector.shape_cast %mul3A_210 : vector<16xf32> to vector<16xf32>
      tpu.vector_store %arg23[%swap3A], %swap3A_213 {strides = array<i32>} : memref<640xf32, #tpu.memory_space<vmem>>, vector<16xf32>,
      %swap3A_214 = arith.index_cast %mul3A_73 : i32 to index
      %swap3A_215 = tpu.vector_load %arg24[%swap3A_214] {strides = array<i32>} : memref<640xf32, #tpu.memory_space<vmem>>, vector<16xf32>,
      %swap3A_216 = vector.shape_cast %swap3A_215 : vector<16xf32> to vector<16xf32>
      %swap3A_217 = vector.shape_cast %mul3A_206 : vector<16xf32> to vector<16xf32>
      tpu.vector_store %arg24[%swap3A_214], %swap3A_217 {strides = array<i32>} : memref<640xf32, #tpu.memory_space<vmem>>, vector<16xf32>,
      %mul3A_218 = arith.mulf %mul3A_206, %mul3A_206 : vector<16xf32>
      %mul3A_219 = arith.mulf %get3A_209, %mul3A_218 : vector<16xf32>
      %swap3A_220 = arith.index_cast %mul3A_73 : i32 to index
      %swap3A_221 = tpu.vector_load %arg25[%swap3A_220] {strides = array<i32>} : memref<640xf32, #tpu.memory_space<vmem>>, vector<16xf32>,
      %swap3A_222 = vector.shape_cast %swap3A_221 : vector<16xf32> to vector<16xf32>
      %swap3A_223 = vector.shape_cast %mul3A_219 : vector<16xf32> to vector<16xf32>
      tpu.vector_store %arg25[%swap3A_220], %swap3A_223 {strides = array<i32>} : memref<640xf32, #tpu.memory_space<vmem>>, vector<16xf32>,
    }
    %scan3A_48 = arith.constant 40 : i32
    %mul3A_49 = arith.constant 640 : i32
    %mul3A_50 = arith.muli %arg1, %mul3A_49 : i32
    "tpu.region"() ({
      %run_scoped3A = tpu.sem_alloc : memref<!tpu.dma_semaphore, #tpu.memory_space<semaphore_mem>>
      %dma_start3A_71 = tpu.memref_slice %arg26[%mul3A_50] : memref<10240xf32, #tpu.memory_space<vmem_shared>> -> memref<640xf32, #tpu.memory_space<vmem_shared>>
      %dma_start3A_72 = tpu.memref_slice %arg26[%mul3A_50] : memref<10240xf32, #tpu.memory_space<vmem_shared>> -> memref<640xf32, #tpu.memory_space<vmem_shared>>
      tpu.enqueue_dma source(%arg23 : memref<640xf32, #tpu.memory_space<vmem>>) target(%dma_start3A_72 : memref<640xf32, #tpu.memory_space<vmem_shared>>) target_semaphore(%run_scoped3A : memref<!tpu.dma_semaphore, #tpu.memory_space<semaphore_mem>>)
      %dma_wait3A_73 = tpu.memref_slice %arg26[%mul3A_50] : memref<10240xf32, #tpu.memory_space<vmem_shared>> -> memref<640xf32, #tpu.memory_space<vmem_shared>>
      %dma_wait3A_74 = tpu.memref_slice %arg26[%mul3A_50] : memref<10240xf32, #tpu.memory_space<vmem_shared>> -> memref<640xf32, #tpu.memory_space<vmem_shared>>
      tpu.wait_dma2 semaphore(%run_scoped3A : memref<!tpu.dma_semaphore, #tpu.memory_space<semaphore_mem>>) src(%arg23 : memref<640xf32, #tpu.memory_space<vmem>>) dst(%dma_wait3A_74 : memref<640xf32, #tpu.memory_space<vmem_shared>>)
      tpu.yield
    }) : () -> ()
    %eq3A_51 = arith.constant 0 : i32
    %eq3A_52 = arith.cmpi eq, %arg0, %eq3A_51 : i32
    %convert_element_type3A_53 = arith.extui %eq3A_52 : i1 to i32
    %cond3A_54 = arith.constant 0 : i32
    %cond3A_55 = arith.cmpi ne, %convert_element_type3A_53, %cond3A_54 : i32
    scf.if %cond3A_55 {
      %mul3A_71 = arith.constant 640 : i32
      %mul3A_72 = arith.muli %arg1, %mul3A_71 : i32
      "tpu.region"() ({
        %run_scoped3A = tpu.sem_alloc : memref<!tpu.dma_semaphore, #tpu.memory_space<semaphore_mem>>
        %dma_start3A_75 = tpu.memref_slice %arg6[%mul3A_72] : memref<10240xf32, #tpu.memory_space<hbm>> -> memref<640xf32, #tpu.memory_space<hbm>>
        %dma_start3A_76 = tpu.memref_slice %arg6[%mul3A_72] : memref<10240xf32, #tpu.memory_space<hbm>> -> memref<640xf32, #tpu.memory_space<hbm>>
        tpu.enqueue_dma source(%arg24 : memref<640xf32, #tpu.memory_space<vmem>>) target(%dma_start3A_76 : memref<640xf32, #tpu.memory_space<hbm>>) target_semaphore(%run_scoped3A : memref<!tpu.dma_semaphore, #tpu.memory_space<semaphore_mem>>)
        %dma_wait3A_77 = tpu.memref_slice %arg6[%mul3A_72] : memref<10240xf32, #tpu.memory_space<hbm>> -> memref<640xf32, #tpu.memory_space<hbm>>
        %dma_wait3A_78 = tpu.memref_slice %arg6[%mul3A_72] : memref<10240xf32, #tpu.memory_space<hbm>> -> memref<640xf32, #tpu.memory_space<hbm>>
        tpu.wait_dma2 semaphore(%run_scoped3A : memref<!tpu.dma_semaphore, #tpu.memory_space<semaphore_mem>>) src(%arg24 : memref<640xf32, #tpu.memory_space<vmem>>) dst(%dma_wait3A_78 : memref<640xf32, #tpu.memory_space<hbm>>)
        tpu.yield
      }) : () -> ()
      %mul3A_73 = arith.constant 640 : i32
      %mul3A_74 = arith.muli %arg1, %mul3A_73 : i32
      "tpu.region"() ({
        %run_scoped3A = tpu.sem_alloc : memref<!tpu.dma_semaphore, #tpu.memory_space<semaphore_mem>>
        %dma_start3A_75 = tpu.memref_slice %arg7[%mul3A_74] : memref<10240xf32, #tpu.memory_space<hbm>> -> memref<640xf32, #tpu.memory_space<hbm>>
        %dma_start3A_76 = tpu.memref_slice %arg7[%mul3A_74] : memref<10240xf32, #tpu.memory_space<hbm>> -> memref<640xf32, #tpu.memory_space<hbm>>
        tpu.enqueue_dma source(%arg25 : memref<640xf32, #tpu.memory_space<vmem>>) target(%dma_start3A_76 : memref<640xf32, #tpu.memory_space<hbm>>) target_semaphore(%run_scoped3A : memref<!tpu.dma_semaphore, #tpu.memory_space<semaphore_mem>>)
        %dma_wait3A_77 = tpu.memref_slice %arg7[%mul3A_74] : memref<10240xf32, #tpu.memory_space<hbm>> -> memref<640xf32, #tpu.memory_space<hbm>>
        %dma_wait3A_78 = tpu.memref_slice %arg7[%mul3A_74] : memref<10240xf32, #tpu.memory_space<hbm>> -> memref<640xf32, #tpu.memory_space<hbm>>
        tpu.wait_dma2 semaphore(%run_scoped3A : memref<!tpu.dma_semaphore, #tpu.memory_space<semaphore_mem>>) src(%arg25 : memref<640xf32, #tpu.memory_space<vmem>>) dst(%dma_wait3A_78 : memref<640xf32, #tpu.memory_space<hbm>>)
        tpu.yield
      }) : () -> ()
    } else {
    }
    %barrier3A = arith.constant 0 : index
    tpu.barrier barrier_id(%barrier3A)
    %lt3A_56 = arith.constant 31 : i32
    %lt3A_57 = arith.cmpi slt, %add3A, %lt3A_56 : i32
    %convert_element_type3A_58 = arith.extui %lt3A_57 : i1 to i32
    %cond3A_59 = arith.constant 0 : i32
    %cond3A_60 = arith.cmpi ne, %convert_element_type3A_58, %cond3A_59 : i32
    scf.if %cond3A_60 {
      %dma_start3A_71 = arith.constant 0 : i32
      %dma_start3A_72 = tpu.memref_slice %arg26[%dma_start3A_71] : memref<10240xf32, #tpu.memory_space<vmem_shared>> -> memref<10240xf32, #tpu.memory_space<vmem_shared>>
      tpu.enqueue_indirect_dma source(%dma_start3A_72 : memref<10240xf32, #tpu.memory_space<vmem_shared>>) target(%arg16 : memref<2560xf32, #tpu.memory_space<vmem>>) offsets(%arg10 : memref<2560xi32, #tpu.memory_space<vmem>>) semaphore(%arg29 : memref<!tpu.dma_semaphore, #tpu.memory_space<semaphore_mem>>)
      %scan3A_73 = arith.constant 0 : i32
      %scan3A_74 = arith.constant 0 : i32
      %scan3A_75 = arith.constant 160 : i32
      %scan3A_76 = arith.addi %scan3A_74, %scan3A_75 : i32
      %scan3A_77 = arith.constant 1 : i32
      scf.for %scan3A_105 = %scan3A_74 to %scan3A_76 step %scan3A_77  : i32 {
        %mul3A_106 = arith.constant 16 : i32
        %mul3A_107 = arith.muli %scan3A_105, %mul3A_106 : i32
        %add3A_108 = arith.constant 2560 : i32
        %add3A_109 = arith.addi %add3A_108, %mul3A_107 : i32
        %get3A = arith.constant 0 : i32
        %get3A_110 = arith.index_cast %get3A : i32 to index
        %get3A_111 = arith.index_cast %add3A_109 : i32 to index
        %get3A_112 = tpu.vector_load %arg8[%get3A_110, %get3A_111] {strides = array<i32>} : memref<2x5120xi32, #tpu.memory_space<vmem>>, vector<1x16xi32>,
        %get3A_113 = vector.shape_cast %get3A_112 : vector<1x16xi32> to vector<16xi32>
        %mul3A_114 = arith.constant 16 : i32
        %mul3A_115 = arith.muli %scan3A_105, %mul3A_114 : i32
        %swap3A = arith.index_cast %mul3A_115 : i32 to index
        %swap3A_116 = tpu.vector_load %arg11[%swap3A] {strides = array<i32>} : memref<2560xi32, #tpu.memory_space<vmem>>, vector<16xi32>,
        %swap3A_117 = vector.shape_cast %swap3A_116 : vector<16xi32> to vector<16xi32>
        %swap3A_118 = vector.shape_cast %get3A_113 : vector<16xi32> to vector<16xi32>
        tpu.vector_store %arg11[%swap3A], %swap3A_118 {strides = array<i32>} : memref<2560xi32, #tpu.memory_space<vmem>>, vector<16xi32>,
      }
      %scan3A_78 = arith.constant 160 : i32
      %scan3A_79 = arith.constant 0 : i32
      %scan3A_80 = arith.constant 0 : i32
      %scan3A_81 = arith.constant 160 : i32
      %scan3A_82 = arith.addi %scan3A_80, %scan3A_81 : i32
      %scan3A_83 = arith.constant 1 : i32
      scf.for %scan3A_105 = %scan3A_80 to %scan3A_82 step %scan3A_83  : i32 {
        %mul3A_106 = arith.constant 16 : i32
        %mul3A_107 = arith.muli %scan3A_105, %mul3A_106 : i32
        %add3A_108 = arith.constant 0 : i32
        %add3A_109 = arith.addi %add3A_108, %mul3A_107 : i32
        %get3A = arith.constant 1 : i32
        %get3A_110 = arith.index_cast %get3A : i32 to index
        %get3A_111 = arith.index_cast %add3A_109 : i32 to index
        %get3A_112 = tpu.vector_load %arg8[%get3A_110, %get3A_111] {strides = array<i32>} : memref<2x5120xi32, #tpu.memory_space<vmem>>, vector<1x16xi32>,
        %get3A_113 = vector.shape_cast %get3A_112 : vector<1x16xi32> to vector<16xi32>
        %mul3A_114 = arith.constant 16 : i32
        %mul3A_115 = arith.muli %scan3A_105, %mul3A_114 : i32
        %swap3A = arith.index_cast %mul3A_115 : i32 to index
        %swap3A_116 = tpu.vector_load %arg12[%swap3A] {strides = array<i32>} : memref<2560xi32, #tpu.memory_space<vmem>>, vector<16xi32>,
        %swap3A_117 = vector.shape_cast %swap3A_116 : vector<16xi32> to vector<16xi32>
        %swap3A_118 = vector.shape_cast %get3A_113 : vector<16xi32> to vector<16xi32>
        tpu.vector_store %arg12[%swap3A], %swap3A_118 {strides = array<i32>} : memref<2560xi32, #tpu.memory_space<vmem>>, vector<16xi32>,
      }
      %scan3A_84 = arith.constant 160 : i32
      %scan3A_85 = arith.constant 0 : i32
      %scan3A_86 = arith.constant 0 : i32
      %scan3A_87 = arith.constant 160 : i32
      %scan3A_88 = arith.addi %scan3A_86, %scan3A_87 : i32
      %scan3A_89 = arith.constant 1 : i32
      scf.for %scan3A_105 = %scan3A_86 to %scan3A_88 step %scan3A_89  : i32 {
        %mul3A_106 = arith.constant 16 : i32
        %mul3A_107 = arith.muli %scan3A_105, %mul3A_106 : i32
        %add3A_108 = arith.constant 2560 : i32
        %add3A_109 = arith.addi %add3A_108, %mul3A_107 : i32
        %get3A = arith.constant 1 : i32
        %get3A_110 = arith.index_cast %get3A : i32 to index
        %get3A_111 = arith.index_cast %add3A_109 : i32 to index
        %get3A_112 = tpu.vector_load %arg8[%get3A_110, %get3A_111] {strides = array<i32>} : memref<2x5120xi32, #tpu.memory_space<vmem>>, vector<1x16xi32>,
        %get3A_113 = vector.shape_cast %get3A_112 : vector<1x16xi32> to vector<16xi32>
        %mul3A_114 = arith.constant 16 : i32
        %mul3A_115 = arith.muli %scan3A_105, %mul3A_114 : i32
        %swap3A = arith.index_cast %mul3A_115 : i32 to index
        %swap3A_116 = tpu.vector_load %arg13[%swap3A] {strides = array<i32>} : memref<2560xi32, #tpu.memory_space<vmem>>, vector<16xi32>,
        %swap3A_117 = vector.shape_cast %swap3A_116 : vector<16xi32> to vector<16xi32>
        %swap3A_118 = vector.shape_cast %get3A_113 : vector<16xi32> to vector<16xi32>
        tpu.vector_store %arg13[%swap3A], %swap3A_118 {strides = array<i32>} : memref<2560xi32, #tpu.memory_space<vmem>>, vector<16xi32>,
      }
      %scan3A_90 = arith.constant 160 : i32
      %dma_wait3A_91 = arith.constant 0 : i32
      %dma_wait3A_92 = tpu.memref_slice %arg26[%dma_wait3A_91] : memref<10240xf32, #tpu.memory_space<vmem_shared>> -> memref<10240xf32, #tpu.memory_space<vmem_shared>>
      tpu.wait_indirect_dma semaphore(%arg29 : memref<!tpu.dma_semaphore, #tpu.memory_space<semaphore_mem>>) src(%dma_wait3A_92 : memref<10240xf32, #tpu.memory_space<vmem_shared>>) dst(%arg16 : memref<2560xf32, #tpu.memory_space<vmem>>)
      %dma_start3A_93 = arith.constant 0 : i32
      %dma_start3A_94 = tpu.memref_slice %arg27[%dma_start3A_93] : memref<10240xf32, #tpu.memory_space<vmem_shared>> -> memref<10240xf32, #tpu.memory_space<vmem_shared>>
      tpu.enqueue_indirect_dma source(%arg16 : memref<2560xf32, #tpu.memory_space<vmem>>) target(%dma_start3A_94 : memref<10240xf32, #tpu.memory_space<vmem_shared>>) offsets(%arg12 : memref<2560xi32, #tpu.memory_space<vmem>>) semaphore(%arg30 : memref<!tpu.dma_semaphore, #tpu.memory_space<semaphore_mem>>) {add = true}
      %dma_start3A_95 = arith.constant 0 : i32
      %dma_start3A_96 = tpu.memref_slice %arg26[%dma_start3A_95] : memref<10240xf32, #tpu.memory_space<vmem_shared>> -> memref<10240xf32, #tpu.memory_space<vmem_shared>>
      tpu.enqueue_indirect_dma source(%dma_start3A_96 : memref<10240xf32, #tpu.memory_space<vmem_shared>>) target(%arg17 : memref<2560xf32, #tpu.memory_space<vmem>>) offsets(%arg11 : memref<2560xi32, #tpu.memory_space<vmem>>) semaphore(%arg29 : memref<!tpu.dma_semaphore, #tpu.memory_space<semaphore_mem>>)
      %dma_wait3A_97 = arith.constant 0 : i32
      %dma_wait3A_98 = tpu.memref_slice %arg26[%dma_wait3A_97] : memref<10240xf32, #tpu.memory_space<vmem_shared>> -> memref<10240xf32, #tpu.memory_space<vmem_shared>>
      tpu.wait_indirect_dma semaphore(%arg29 : memref<!tpu.dma_semaphore, #tpu.memory_space<semaphore_mem>>) src(%dma_wait3A_98 : memref<10240xf32, #tpu.memory_space<vmem_shared>>) dst(%arg17 : memref<2560xf32, #tpu.memory_space<vmem>>)
      %dma_start3A_99 = arith.constant 0 : i32
      %dma_start3A_100 = tpu.memref_slice %arg27[%dma_start3A_99] : memref<10240xf32, #tpu.memory_space<vmem_shared>> -> memref<10240xf32, #tpu.memory_space<vmem_shared>>
      tpu.enqueue_indirect_dma source(%arg17 : memref<2560xf32, #tpu.memory_space<vmem>>) target(%dma_start3A_100 : memref<10240xf32, #tpu.memory_space<vmem_shared>>) offsets(%arg13 : memref<2560xi32, #tpu.memory_space<vmem>>) semaphore(%arg30 : memref<!tpu.dma_semaphore, #tpu.memory_space<semaphore_mem>>) {add = true}
      %dma_wait3A_101 = arith.constant 0 : i32
      %dma_wait3A_102 = tpu.memref_slice %arg27[%dma_wait3A_101] : memref<10240xf32, #tpu.memory_space<vmem_shared>> -> memref<10240xf32, #tpu.memory_space<vmem_shared>>
      tpu.wait_indirect_dma semaphore(%arg30 : memref<!tpu.dma_semaphore, #tpu.memory_space<semaphore_mem>>) src(%arg16 : memref<2560xf32, #tpu.memory_space<vmem>>) dst(%dma_wait3A_102 : memref<10240xf32, #tpu.memory_space<vmem_shared>>)
      %dma_wait3A_103 = arith.constant 0 : i32
      %dma_wait3A_104 = tpu.memref_slice %arg27[%dma_wait3A_103] : memref<10240xf32, #tpu.memory_space<vmem_shared>> -> memref<10240xf32, #tpu.memory_space<vmem_shared>>
      tpu.wait_indirect_dma semaphore(%arg30 : memref<!tpu.dma_semaphore, #tpu.memory_space<semaphore_mem>>) src(%arg17 : memref<2560xf32, #tpu.memory_space<vmem>>) dst(%dma_wait3A_104 : memref<10240xf32, #tpu.memory_space<vmem_shared>>)
    } else {
    }
    %eq3A_61 = arith.constant 31 : i32
    %eq3A_62 = arith.cmpi eq, %add3A, %eq3A_61 : i32
    %convert_element_type3A_63 = arith.extui %eq3A_62 : i1 to i32
    %cond3A_64 = arith.constant 0 : i32
    %cond3A_65 = arith.cmpi ne, %convert_element_type3A_63, %cond3A_64 : i32
    scf.if %cond3A_65 {
      %scan3A_71 = arith.constant 0 : i32
      %scan3A_72 = arith.constant 0 : i32
      %scan3A_73 = arith.constant 80 : i32
      %scan3A_74 = arith.addi %scan3A_72, %scan3A_73 : i32
      %scan3A_75 = arith.constant 1 : i32
      scf.for %scan3A_83 = %scan3A_72 to %scan3A_74 step %scan3A_75  : i32 {
        %mul3A_84 = arith.constant 16 : i32
        %mul3A_85 = arith.muli %scan3A_83, %mul3A_84 : i32
        %get3A = arith.constant 0 : i32
        %get3A_86 = arith.index_cast %get3A : i32 to index
        %get3A_87 = arith.index_cast %mul3A_85 : i32 to index
        %get3A_88 = tpu.vector_load %arg9[%get3A_86, %get3A_87] {strides = array<i32>} : memref<2x1280xi32, #tpu.memory_space<vmem>>, vector<1x16xi32>,
        %get3A_89 = vector.shape_cast %get3A_88 : vector<1x16xi32> to vector<16xi32>
        %mul3A_90 = arith.constant 16 : i32
        %mul3A_91 = arith.muli %scan3A_83, %mul3A_90 : i32
        %swap3A = arith.index_cast %mul3A_91 : i32 to index
        %swap3A_92 = tpu.vector_load %arg14[%swap3A] {strides = array<i32>} : memref<1280xi32, #tpu.memory_space<vmem>>, vector<16xi32>,
        %swap3A_93 = vector.shape_cast %swap3A_92 : vector<16xi32> to vector<16xi32>
        %swap3A_94 = vector.shape_cast %get3A_89 : vector<16xi32> to vector<16xi32>
        tpu.vector_store %arg14[%swap3A], %swap3A_94 {strides = array<i32>} : memref<1280xi32, #tpu.memory_space<vmem>>, vector<16xi32>,
      }
      %scan3A_76 = arith.constant 80 : i32
      %scan3A_77 = arith.constant 0 : i32
      %scan3A_78 = arith.constant 0 : i32
      %scan3A_79 = arith.constant 80 : i32
      %scan3A_80 = arith.addi %scan3A_78, %scan3A_79 : i32
      %scan3A_81 = arith.constant 1 : i32
      scf.for %scan3A_83 = %scan3A_78 to %scan3A_80 step %scan3A_81  : i32 {
        %mul3A_84 = arith.constant 16 : i32
        %mul3A_85 = arith.muli %scan3A_83, %mul3A_84 : i32
        %get3A = arith.constant 1 : i32
        %get3A_86 = arith.index_cast %get3A : i32 to index
        %get3A_87 = arith.index_cast %mul3A_85 : i32 to index
        %get3A_88 = tpu.vector_load %arg9[%get3A_86, %get3A_87] {strides = array<i32>} : memref<2x1280xi32, #tpu.memory_space<vmem>>, vector<1x16xi32>,
        %get3A_89 = vector.shape_cast %get3A_88 : vector<1x16xi32> to vector<16xi32>
        %mul3A_90 = arith.constant 16 : i32
        %mul3A_91 = arith.muli %scan3A_83, %mul3A_90 : i32
        %swap3A = arith.index_cast %mul3A_91 : i32 to index
        %swap3A_92 = tpu.vector_load %arg15[%swap3A] {strides = array<i32>} : memref<1280xi32, #tpu.memory_space<vmem>>, vector<16xi32>,
        %swap3A_93 = vector.shape_cast %swap3A_92 : vector<16xi32> to vector<16xi32>
        %swap3A_94 = vector.shape_cast %get3A_89 : vector<16xi32> to vector<16xi32>
        tpu.vector_store %arg15[%swap3A], %swap3A_94 {strides = array<i32>} : memref<1280xi32, #tpu.memory_space<vmem>>, vector<16xi32>,
      }
      %scan3A_82 = arith.constant 80 : i32
      "tpu.region"() ({
        %run_scoped3A = tpu.sem_alloc : memref<!tpu.dma_semaphore, #tpu.memory_space<semaphore_mem>>
        %dma_start3A_83 = arith.constant 0 : i32
        %dma_start3A_84 = tpu.memref_slice %arg26[%dma_start3A_83] : memref<10240xf32, #tpu.memory_space<vmem_shared>> -> memref<10240xf32, #tpu.memory_space<vmem_shared>>
        tpu.enqueue_indirect_dma source(%dma_start3A_84 : memref<10240xf32, #tpu.memory_space<vmem_shared>>) target(%arg18 : memref<1280xf32, #tpu.memory_space<vmem>>) offsets(%arg14 : memref<1280xi32, #tpu.memory_space<vmem>>) semaphore(%run_scoped3A : memref<!tpu.dma_semaphore, #tpu.memory_space<semaphore_mem>>)
        %dma_wait3A_85 = arith.constant 0 : i32
        %dma_wait3A_86 = tpu.memref_slice %arg26[%dma_wait3A_85] : memref<10240xf32, #tpu.memory_space<vmem_shared>> -> memref<10240xf32, #tpu.memory_space<vmem_shared>>
        tpu.wait_indirect_dma semaphore(%run_scoped3A : memref<!tpu.dma_semaphore, #tpu.memory_space<semaphore_mem>>) src(%dma_wait3A_86 : memref<10240xf32, #tpu.memory_space<vmem_shared>>) dst(%arg18 : memref<1280xf32, #tpu.memory_space<vmem>>)
        tpu.yield
      }) : () -> ()
      "tpu.region"() ({
        %run_scoped3A = tpu.sem_alloc : memref<!tpu.dma_semaphore, #tpu.memory_space<semaphore_mem>>
        %dma_start3A_83 = arith.constant 0 : i32
        %dma_start3A_84 = tpu.memref_slice %arg27[%dma_start3A_83] : memref<10240xf32, #tpu.memory_space<vmem_shared>> -> memref<10240xf32, #tpu.memory_space<vmem_shared>>
        tpu.enqueue_indirect_dma source(%arg18 : memref<1280xf32, #tpu.memory_space<vmem>>) target(%dma_start3A_84 : memref<10240xf32, #tpu.memory_space<vmem_shared>>) offsets(%arg15 : memref<1280xi32, #tpu.memory_space<vmem>>) semaphore(%run_scoped3A : memref<!tpu.dma_semaphore, #tpu.memory_space<semaphore_mem>>) {add = true}
        %dma_wait3A_85 = arith.constant 0 : i32
        %dma_wait3A_86 = tpu.memref_slice %arg27[%dma_wait3A_85] : memref<10240xf32, #tpu.memory_space<vmem_shared>> -> memref<10240xf32, #tpu.memory_space<vmem_shared>>
        tpu.wait_indirect_dma semaphore(%run_scoped3A : memref<!tpu.dma_semaphore, #tpu.memory_space<semaphore_mem>>) src(%arg18 : memref<1280xf32, #tpu.memory_space<vmem>>) dst(%dma_wait3A_86 : memref<10240xf32, #tpu.memory_space<vmem_shared>>)
        tpu.yield
      }) : () -> ()
    } else {
    }
    %barrier3A_66 = arith.constant 0 : index
    tpu.barrier barrier_id(%barrier3A_66)
    %mul3A_67 = arith.constant 640 : i32
    %mul3A_68 = arith.muli %arg1, %mul3A_67 : i32
    %mul3A_69 = arith.constant 640 : i32
    %mul3A_70 = arith.muli %arg1, %mul3A_69 : i32
    "tpu.region"() ({
      %run_scoped3A = tpu.sem_alloc : memref<!tpu.dma_semaphore, #tpu.memory_space<semaphore_mem>>
      %dma_start3A_71 = tpu.memref_slice %arg5[%arg0, %mul3A_70] : memref<2x10240xf32, #tpu.memory_space<hbm>> -> memref<1x640xf32, #tpu.memory_space<hbm>>
      %dma_start3A_72 = tpu.memref_squeeze %dma_start3A_71 : memref<1x640xf32, #tpu.memory_space<hbm>> -> memref<640xf32, #tpu.memory_space<hbm>>
      %dma_start3A_73 = tpu.memref_slice %arg27[%mul3A_68] : memref<10240xf32, #tpu.memory_space<vmem_shared>> -> memref<640xf32, #tpu.memory_space<vmem_shared>>
      tpu.enqueue_dma source(%dma_start3A_73 : memref<640xf32, #tpu.memory_space<vmem_shared>>) target(%dma_start3A_72 : memref<640xf32, #tpu.memory_space<hbm>>) target_semaphore(%run_scoped3A : memref<!tpu.dma_semaphore, #tpu.memory_space<semaphore_mem>>)
      %dma_wait3A_74 = tpu.memref_slice %arg5[%arg0, %mul3A_70] : memref<2x10240xf32, #tpu.memory_space<hbm>> -> memref<1x640xf32, #tpu.memory_space<hbm>>
      %dma_wait3A_75 = tpu.memref_squeeze %dma_wait3A_74 : memref<1x640xf32, #tpu.memory_space<hbm>> -> memref<640xf32, #tpu.memory_space<hbm>>
      %dma_wait3A_76 = tpu.memref_slice %arg27[%mul3A_68] : memref<10240xf32, #tpu.memory_space<vmem_shared>> -> memref<640xf32, #tpu.memory_space<vmem_shared>>
      tpu.wait_dma2 semaphore(%run_scoped3A : memref<!tpu.dma_semaphore, #tpu.memory_space<semaphore_mem>>) src(%dma_wait3A_76 : memref<640xf32, #tpu.memory_space<vmem_shared>>) dst(%dma_wait3A_75 : memref<640xf32, #tpu.memory_space<hbm>>)
      tpu.yield
    }) : () -> ()
    return
  }
}

module attributes {stable_mosaic.version = 14 : i64} {
  func.func @_fin_body(%arg0: memref<2x10240xf32, #tpu.memory_space<vmem>>, %arg1: memref<10240xf32, #tpu.memory_space<vmem>>, %arg2: memref<10240xf32, #tpu.memory_space<vmem>>, %arg3: memref<10240xf32, #tpu.memory_space<vmem>>) attributes {dimension_semantics = [], scalar_prefetch = 0 : i64, scratch_operands = 0 : i64, tpu.core_type = #tpu.core_type<tc>} {
    %get3A = arith.constant 0 : index
    %get3A_0 = vector.load %arg1[%get3A] : memref<10240xf32, #tpu.memory_space<vmem>>, vector<10240xf32>
    %get3A_1 = arith.constant 0 : index
    %get3A_2 = arith.constant 0 : index
    %get3A_3 = vector.load %arg0[%get3A_1, %get3A_2] : memref<2x10240xf32, #tpu.memory_space<vmem>>, vector<1x10240xf32>
    %get3A_4 = vector.shape_cast %get3A_3 : vector<1x10240xf32> to vector<10240xf32>
    %get3A_5 = arith.constant 1 : index
    %get3A_6 = arith.constant 0 : index
    %get3A_7 = vector.load %arg0[%get3A_5, %get3A_6] : memref<2x10240xf32, #tpu.memory_space<vmem>>, vector<1x10240xf32>
    %get3A_8 = vector.shape_cast %get3A_7 : vector<1x10240xf32> to vector<10240xf32>
    %add3A = arith.addf %get3A_4, %get3A_8 : vector<10240xf32>
    %mul3A = arith.mulf %get3A_0, %add3A : vector<10240xf32>
    %get3A_9 = arith.constant 0 : index
    %get3A_10 = vector.load %arg2[%get3A_9] : memref<10240xf32, #tpu.memory_space<vmem>>, vector<10240xf32>
    %add3A_11 = arith.addf %mul3A, %get3A_10 : vector<10240xf32>
    %custom_jvp_call3A = arith.constant 0.000000e+00 : f32
    %max3A = vector.broadcast %custom_jvp_call3A : f32 to vector<10240xf32>
    %max3A_12 = arith.maximumf %add3A_11, %max3A : vector<10240xf32>
    %sub3A = vector.broadcast %custom_jvp_call3A : f32 to vector<10240xf32>
    %sub3A_13 = arith.subf %add3A_11, %sub3A : vector<10240xf32>
    %ne3A = arith.cmpf one, %sub3A_13, %sub3A_13 : vector<10240xf32>
    %add3A_14 = vector.broadcast %custom_jvp_call3A : f32 to vector<10240xf32>
    %add3A_15 = arith.addf %add3A_11, %add3A_14 : vector<10240xf32>
    %abs3A = math.absf %sub3A_13 : vector<10240xf32>
    %neg3A = arith.constant 0.000000e+00 : f32
    %neg3A_16 = vector.broadcast %neg3A : f32 to vector<10240xf32>
    %neg3A_17 = arith.subf %neg3A_16, %abs3A : vector<10240xf32>
    %exp3A = math.exp %neg3A_17 : vector<10240xf32>
    %log1p3A = math.log1p %exp3A : vector<10240xf32>
    %add3A_18 = arith.addf %max3A_12, %log1p3A : vector<10240xf32>
    %select_n3A = arith.select %ne3A, %add3A_15, %add3A_18 : vector<10240xi1>, vector<10240xf32>
    %add3A_19 = arith.constant 5.000000e-01 : f32
    %add3A_20 = vector.broadcast %add3A_19 : f32 to vector<10240xf32>
    %add3A_21 = arith.addf %select_n3A, %add3A_20 : vector<10240xf32>
    %div3A = arith.constant 1.000000e+00 : f32
    %div3A_22 = vector.broadcast %div3A : f32 to vector<10240xf32>
    %div3A_23 = arith.divf %div3A_22, %add3A_21 : vector<10240xf32>
    %abs3A_24 = math.absf %div3A_23 : vector<10240xf32>
    %eq3A = arith.constant 0x7F800000 : f32
    %eq3A_25 = vector.broadcast %eq3A : f32 to vector<10240xf32>
    %eq3A_26 = arith.cmpf oeq, %abs3A_24, %eq3A_25 : vector<10240xf32>
    %jit3A = arith.constant 0.000000e+00 : f32
    %broadcast_in_dim3A = vector.broadcast %jit3A : f32 to vector<10240xf32>
    %select_n3A_27 = arith.select %eq3A_26, %broadcast_in_dim3A, %div3A_23 : vector<10240xi1>, vector<10240xf32>
    %swap3A = arith.constant 0 : index
    %swap3A_28 = vector.load %arg3[%swap3A] : memref<10240xf32, #tpu.memory_space<vmem>>, vector<10240xf32>
    tpu.vector_store %arg3[%swap3A], %select_n3A_27 {strides = array<i32>} : memref<10240xf32, #tpu.memory_space<vmem>>, vector<10240xf32>,
    return
  }
}

module attributes {stable_mosaic.version = 14 : i64} {
  func.func @_mv_body(%arg0: i32, %arg1: memref<1024x256xf32, #tpu.memory_space<vmem>>, %arg2: memref<256x1xf32, #tpu.memory_space<vmem>>, %arg3: memref<1024xf32, #tpu.memory_space<vmem>>) attributes {dimension_semantics = [#tpu.dimension_semantics<arbitrary>], iteration_bounds = array<i64: 10>, scalar_prefetch = 0 : i64, scratch_operands = 0 : i64, tpu.core_type = #tpu.core_type<tc>, window_params = [{transform_indices = @transform_0, window_bounds = array<i64: 1024, 256>}, {pipeline_mode = #tpu.pipeline_mode<synchronous>, transform_indices = @transform_1, window_bounds = array<i64: 256, 1>}, {transform_indices = @transform_2, window_bounds = array<i64: 1024>}]} {
    %get3A = arith.constant 0 : index
    %get3A_0 = arith.constant 0 : index
    %get3A_1 = vector.load %arg1[%get3A, %get3A_0] : memref<1024x256xf32, #tpu.memory_space<vmem>>, vector<1024x256xf32>
    %get3A_2 = arith.constant 0 : index
    %get3A_3 = arith.constant 0 : index
    %get3A_4 = vector.load %arg2[%get3A_2, %get3A_3] : memref<256x1xf32, #tpu.memory_space<vmem>>, vector<256x1xf32>
    %dot_general3A = arith.constant dense<0.000000e+00> : vector<1024x1xf32>
    %dot_general3A_5 = tpu.matmul %get3A_1, %get3A_4, %dot_general3A {dimension_numbers = #tpu.dot_dimension_numbers<[1], [0], [0], [1], [0, 0, 1, 1], [], []>, transpose_lhs_hint = false} : vector<1024x256xf32>, vector<256x1xf32>, vector<1024x1xf32> -> vector<1024x1xf32>
    %squeeze3A = vector.shape_cast %dot_general3A_5 : vector<1024x1xf32> to vector<1024xf32>
    %swap3A = arith.constant 0 : index
    %swap3A_6 = vector.load %arg3[%swap3A] : memref<1024xf32, #tpu.memory_space<vmem>>, vector<1024xf32>
    tpu.vector_store %arg3[%swap3A], %squeeze3A {strides = array<i32>} : memref<1024xf32, #tpu.memory_space<vmem>>, vector<1024xf32>,
    return
  }
  func.func @transform_0(%arg0: i32) -> (i32, i32) {
    %c0_i32 = arith.constant 0 : i32
    %c0_i32_0 = arith.constant 0 : i32
    return %arg0, %c0_i32 : i32, i32
  }
  func.func @transform_1(%arg0: i32) -> (i32, i32) {
    %c0_i32 = arith.constant 0 : i32
    %c0_i32_0 = arith.constant 0 : i32
    %c0_i32_1 = arith.constant 0 : i32
    return %c0_i32, %c0_i32_0 : i32, i32
  }
  func.func @transform_2(%arg0: i32) -> i32 {
    %c0_i32 = arith.constant 0 : i32
    return %arg0 : i32
  }
}

</mosaic_0001>

<sc_bundles>
// kernel: kernel.6.cloned.1.call-start
scs
__scs_entry_jumppad:
0x0: {  	(pc) =	sbr.rel $0x88, $3  }
0x1: {  	(tag) =	ssettag $0x0;
	lr =	simm.s32 $0x1  }
0x2: {  	[smem:$0x3F9E] =	sst lr;
	_ =	strace $0xD0000000  }
0x3: {  	_ = 	snop  }
0x4: {  	_ = 	snop  }
0x5: {  	_ = 	snop  }
0x6: {  	_ = 	snop  }
0x7: {  	_ = 	snop  }
__scs_overlays_trampoline_lowered:
0x8: {  	[smem:$0x3FAD] =	sst s0  }
0x9: {  	[smem:$0x3FAE] =	sst s1  }
0xa: {  	[smem:$0x3FAF] =	sst s2  }
0xb: {  	[smem:$0x3FB0] =	sst s3  }
0xc: {  	[smem:$0x3FB1] =	sst s4  }
0xd: {  	[smem:$0x3FB2] =	sst s5  }
0xe: {  	[smem:$0x3FB3] =	sst s6  }
0xf: {  	[smem:$0x3FB4] =	sst s7  }
0x10: {  	[smem:$0x3FB5] =	sst s8  }
0x11: {  	[smem:$0x3FB6] =	sst s9;
	s0 =	simm.s32 @!p0 $0x0  }
0x12: {  	s1 =	sld [smem:$0x3F9C];
	s0 =	simm.s32 @p0 $0x1  }
0x13: {  	[smem:$0x3FB7] =	sst s0;
	s0 =	simm.s32 @!p1 $0x0  }
0x14: {  	s2 =	sld [smem:$0x3F9B];
	s0 =	simm.s32 @p1 $0x1  }
0x15: {  	[smem:$0x3FB8] =	sst s0;
	s0 =	simm.s32 @!p2 $0x0  }
0x16: {  	s3 =	sld [smem:$0x3FDB];
	s0 =	simm.s32 @p2 $0x1  }
0x17: {  	s4 =	simm.s32 $0x1BF5;
	[smem:$0x3FBA] =	sst s0  }
0x18: {  	s0 =	sld [smem:$0x3F9D];
	_ =	swait.ge [sflag:s4], $0x0  }
0x19: {  	s7 =	sld [smem:$0x3F9E]  }
0x1a: {  	s8 =	sadd.s32 $0xFFFFE003, lr  }
0x1b: {  	s9 =	sadd.s32 $0xFFFFFEF7, lr;
	s5 =	simm.s32 $0xFFFFFFFF;
	p2 =	slt.u32 s8, $0xFFFFF086  }
0x1c: {  	p1 =	slt.u32 s9, $0xF7A;
	s5 =	simm.s32 @!p2 $0x0  }
0x1d: {  	s5 =	simm.s32 @p1 $0x1;
	p0 =	seq.s32 s7, s2  }
0x1e: {  	s7 =	smul.u32 @!p0 $0xF7A, s2;
	p2 =	seq.s32 @!p0 s5, $0x0  }
0x1f: {  	s9 =	smul.u32 $0xF7A, s1;
	s8 =	simm.s32 @!p0 $0x1BF5;
	p2 =	por !p2, p0  }
0x20: {  	[sflag:s8] =	ssyncset.s32 @!p0 $0xFFFFF086;
	s6 =	sadd.s32 @!p0 s3, s7;
	s7 =	simm.s32 @!p0 $0x108  }
0x21: {  	s3 =	sadd.s32 s3, s9;
	s6 =	sadd.s32 @!p0 $0x88, s6;
	s7 =	simm.s32 @p2 $0x1082  }
0x22: {  	[simem:s7], [sflag:s8] =	dma.local @!p0 [hbm:s6], $0xF7A  }
0x23: {  	s9 =	sor.u32 $0xD0000000, s2;
	s6 =	simm.s32 $0x108;
	_ =	swait.ge @!p0 [sflag:s8], $0x0  }
0x24: {  	s3 =	sadd.s32 $0x88, s3;
	s6 =	simm.s32 @!p1 $0x1082;
	[sflag:s4] =	ssyncset.s32 $0xFFFFF086  }
0x25: {  	[simem:s6], [sflag:s4] =	dma.local [hbm:s3], $0xF7A  }
0x26: {  	[smem:$0x3F9E] =	sst s1;
	(tag) =	ssettag s2;
	_ =	strace s9  }
0x27: {  	s1 =	sld [smem:$0x3FAE]  }
0x28: {  	s2 =	sld [smem:$0x3FAF]  }
0x29: {  	s4 =	sld [smem:$0x3FB1]  }
0x2a: {  	p0 =	seq.s32 s5, $0x0;
	s5 =	sld [smem:$0x3FB2]  }
0x2b: {  	s6 =	sld [smem:$0x3FB3]  }
0x2c: {  	s7 =	sld [smem:$0x3FB4]  }
0x2d: {  	s3 =	simm.s32 $0x108;
	s8 =	sld [smem:$0x3FB5]  }
0x2e: {  	s3 =	simm.s32 @!p0 $0x1082;
	s9 =	sld [smem:$0x3FB6]  }
0x2f: {  	lr =	sadd.s32 s0, s3;
	s0 =	sld [smem:$0x3FAD]  }
0x30: {  	s3 =	sld [smem:$0x3FB0]  }
0x31: {  	[smem:$0x3FB9] =	sst s10  }
0x32: {  	s10 =	sld [smem:$0x3FB7];
	_ =	sdelay $0x3  }
0x33: {  	p0 =	seq.s32 s10, $0x1;
	s10 =	sld [smem:$0x3FB9];
	_ =	sdelay $0x3  }
0x34: {  	[smem:$0x3FB9] =	sst s10  }
0x35: {  	s10 =	sld [smem:$0x3FB8];
	_ =	sdelay $0x3  }
0x36: {  	p1 =	seq.s32 s10, $0x1;
	s10 =	sld [smem:$0x3FB9];
	_ =	sdelay $0x3  }
0x37: {  	[smem:$0x3FB9] =	sst s10  }
0x38: {  	s10 =	sld [smem:$0x3FBA]  }
0x39: {  	_ = 	snop;
	(pc) =	sbr.ind lr, $3  }
0x3a: {  	_ = 	snop  }
0x3b: {  	_ = 	snop  }
0x3c: {  	p2 =	seq.s32 s10, $0x1;
	s10 =	sld [smem:$0x3FB9]  }
0x3d: {  	_ =	shalt  }
0x3e: {  	_ =	shalt  }
0x3f: {  	_ =	shalt  }
0x40: {  	_ =	shalt  }
0x41: {  	_ =	shalt  }
0x42: {  	_ =	shalt  }
0x43: {  	_ =	shalt  }
0x44: {  	_ =	shalt  }
0x45: {  	_ =	shalt  }
0x46: {  	_ =	shalt  }
0x47: {  	_ =	shalt  }
0x48: {  	_ =	shalt  }
0x49: {  	_ =	shalt  }
0x4a: {  	_ =	shalt  }
0x4b: {  	_ =	shalt  }
0x4c: {  	_ =	shalt  }
0x4d: {  	_ =	shalt  }
0x4e: {  	_ =	shalt  }
0x4f: {  	_ =	shalt  }
0x50: {  	_ =	shalt  }
0x51: {  	_ =	shalt  }
0x52: {  	_ =	shalt  }
0x53: {  	_ =	shalt  }
0x54: {  	_ =	shalt  }
0x55: {  	_ =	shalt  }
0x56: {  	_ =	shalt  }
0x57: {  	_ =	shalt  }
0x58: {  	_ =	shalt  }
0x59: {  	_ =	shalt  }
0x5a: {  	_ =	shalt  }
0x5b: {  	_ =	shalt  }
0x5c: {  	_ =	shalt  }
0x5d: {  	_ =	shalt  }
0x5e: {  	_ =	shalt  }
0x5f: {  	_ =	shalt  }
0x60: {  	_ =	shalt  }
0x61: {  	_ =	shalt  }
0x62: {  	_ =	shalt  }
0x63: {  	_ =	shalt  }
0x64: {  	_ =	shalt  }
0x65: {  	_ =	shalt  }
0x66: {  	_ =	shalt  }
0x67: {  	_ =	shalt  }
0x68: {  	_ =	shalt  }
0x69: {  	_ =	shalt  }
0x6a: {  	_ =	shalt  }
0x6b: {  	_ =	shalt  }
0x6c: {  	_ =	shalt  }
0x6d: {  	_ =	shalt  }
0x6e: {  	_ =	shalt  }
0x6f: {  	_ =	shalt  }
0x70: {  	_ =	shalt  }
0x71: {  	_ =	shalt  }
0x72: {  	_ =	shalt  }
0x73: {  	_ =	shalt  }
0x74: {  	_ =	shalt  }
0x75: {  	_ =	shalt  }
0x76: {  	_ =	shalt  }
0x77: {  	_ =	shalt  }
0x78: {  	_ =	shalt  }
0x79: {  	_ =	shalt  }
0x7a: {  	_ =	shalt  }
0x7b: {  	_ =	shalt  }
0x7c: {  	_ =	shalt  }
0x7d: {  	_ =	shalt  }
0x7e: {  	_ =	shalt  }
0x7f: {  	_ =	shalt  }
0x80: {  	_ =	shalt  }
0x81: {  	_ =	shalt  }
0x82: {  	_ =	shalt  }
0x83: {  	_ =	shalt  }
0x84: {  	_ =	shalt  }
0x85: {  	_ =	shalt  }
0x86: {  	_ =	shalt  }
0x87: {  	_ =	shalt  }
.Lfunc_end0:
.L_simem_size_0:
called_computation_lowered:
.L_overlay_start_0:
0x88: {  	s2 =	sld [smem:$0x3FD9]  }
0x89: {  	s3 =	sld [smem:$0x3FFE];
	_ =	sdelay $0x1  }
0x8a: {  	s1 =	srdreg.scid  }
0x8b: {  	s0 =	sand.u32 $0x1, s1  }
0x8c: {  	s17 =	sshll.u32 s0, $0xA;
	s2 =	sadd.s32 s3, s2  }
0x8d: {  	s2 =	sadd.s32 s2, s17  }
0x8e: {  	[smem:$0x3FC5] =	sst s2  }
0x8f: {  	_ = 	snop  }
0x90: {  	s2 =	sld [smem:$0x3FC8];
	(tm) =	ssettm $0x1  }
0x91: {  	s18 =	sld [smem:$0x3FFB];
	_ =	sdelay $0x3  }
0x92: {  	_ =	strace s18  }
0x93: {  	s3 =	sld [smem:$0x3FFC];
	_ =	sdelay $0x3  }
0x94: {  	_ =	strace s3  }
0x95: {  	s3 =	sld [smem:$0x3FFD];
	_ =	sdelay $0x3  }
0x96: {  	_ =	strace s3  }
0x97: {  	_ =	strace $0x8FFFFFFF  }
0x98: {  	s19 =	sld [smem:$0x3FDB];
	_ =	sdelay $0x1  }
0x99: {  	s4 =	simm.s32 $_scs_section_size  }
0x9a: {  	s5 =	simm.s32 $_size__tile_overlayer_lowered;
	s6 =	simm.s32 $_tile_overlayer_lowered  }
0x9b: {  	s22 =	simm.s32 $0x1BFF;
	s21 =	sshll.u32 s6, $0x1;
	s3 =	sadd.s32 s4, s19  }
0x9c: {  	s7 =	simm.s32 $0x0;
	s20 =	sshll.u32 s5, $0x1;
	s5 =	sadd.s32 s21, s3  }
0x9d: {  	[timem:s7], [sflag:s22] =	dma.local [hbm:s5], s20  }
0x9e: {  	_ =	swait.ge [sflag:s22], s20  }
0x9f: {  	s4 =	ssub.s32 $0x0, s20;
	[sflag:s22] =	ssyncset.done $0x0  }
0xa0: {  	[sflag:s22] =	ssyncadd.s32 s4;
	_ =	sdelay $0x1  }
0xa1: {  	s23 =	simm.s32 $0x1B8B  }
0xa2: {  	_ =	swait.ge [sflag:s23], $0x1  }
0xa3: {  	[sflag:s23] =	ssyncset.done $0x0  }
0xa4: {  	s25 =	simm.s32 $0x1B8E;
	s24 =	sld [smem:$0x3FFE];
	[sflag:s23] =	ssyncadd.s32 $0xFFFFFFFF  }
0xa5: {  	s26 =	simm.s32 $execute0_lowered;
	[smem:$0x3FD2] =	sst s25  }
0xa6: {  	s5 =	sshll.u32 s26, $0x1;
	_ =	strace $0x80000046;
	[dreg:$0x1] =	wrdreg $0xFFFFFFFF  }
0xa7: {  	s28 =	simm.s32 $_size_execute0_lowered;
	s3 =	sadd.s32 s3, s5;
	[dreg:$0x0] =	wrdreg $0x0  }
0xa8: {  	s5 =	sshll.u32 s28, $0x1;
	[dreg:$0x2] =	wrdreg s3  }
0xa9: {  	[dreg:$0x3] =	wrdreg s5  }
0xaa: {  	[dreg:$0x4] =	wrdreg $0xC0  }
0xab: {  	_ =	task [dreg:s7], $0x5FFFF  }
0xac: {  	[dreg:$0x1] =	wrdreg $0xFFFFFFFF  }
0xad: {  	[dreg:$0x0] =	wrdreg $0x60  }
0xae: {  	[dreg:$0x2] =	wrdreg s2  }
0xaf: {  	[dreg:$0x3] =	wrdreg s24  }
0xb0: {  	[dreg:$0x4] =	wrdreg $0x61800  }
0xb1: {  	[dreg:$0x5] =	wrdreg $0x9  }
0xb2: {  	_ =	task.clear_ibuf [dreg:s7], $0x6FFFF;
	_ =	strace $0x90000046  }
0xb3: {  	s29 =	simm.s32 $0x9;
	_ =	strace $0x80000048  }
0xb4: {  	_ =	swait.ge [sflag:s29], $0x1  }
0xb5: {  	[sflag:s29] =	ssyncadd.s32 $0xFFFFFFFF  }
0xb6: {  	_ =	strace $0x90000048  }
0xb7: {  	_ =	sfence  }
0xb8: {  	s30 =	sld [smem:$0x0];
	_ =	sdelay $0x2  }
0xb9: {  	s31 =	sshll.u32 s1, $0xD;
	s1 =	sshrl.u32 s1, $0x2  }
0xba: {  	s3 =	sand.u32 $0x4000, s31;
	s1 =	sadd.s32 s1, s30  }
0xbb: {  	s0 =	sor.u32 s3, s0;
	s1 =	sshll.u32 s1, $0x11  }
0xbc: {  	s0 =	sor.u32 s1, s0  }
0xbd: {  	s0 =	sadd.s32 $0x8F2B, s0  }
0xbe: {  	[sflag:s0] =	ssyncadd.remote.s32 $0x1  }
0xbf: {  	_ =	sfence.sel $0xFFFF  }
0xc0: {  	[dreg:$0x0] =	wrdreg $0xFFFFFFFF;
	(pc) =	sbr.abs _section_cstart, $3  }
0xc1: {  	[dreg:$0x1] =	wrdreg $0xFFFFFFFF  }
0xc2: {  	_ =	task.clear_ibuf [dreg:s7], $0x2FFFF;
	_ =	strace $0x9FFFFFFF  }
0xc3: {  	(tm) =	ssettm $0x7FFFFFFF  }
tec
execute0_lowered:
.L_overlay_start_1:
0x0: {  	(tag) =	ssettag $0x1  }
0x1: {  	s5 =	rddreg [dreg:$0x0]  }
0x2: {  	s4 =	rddreg [dreg:$0x1]  }
0x3: {  	s2 =	rddreg [dreg:$0x2]  }
0x4: {  	s3 =	srdreg.scid;
	s0 =	rddreg [dreg:$0x3]  }
0x5: {  	s1 =	stileid.u32;
	s12 =	simm.s32 $0x2;
	s13 =	simm.s32 $0x500  }
0x6: {  	s14 =	simm.s32 $0x4600;
	s15 =	simm.s32 $0x4B00;
	s18 =	simm.s32 $0x20  }
0x7: {  	s19 =	simm.s32 $0x10;
	s20 =	simm.s32 $0x1400;
	s21 =	simm.s32 $0x3200  }
0x8: {  	s6 =	sand.u32 $0x1, s3;
	s3 =	simm.s32 $0x0;
	s7 =	smul.u32 $0x500, s1  }
0x9: {  	s11 =	smul.u32 $0xA00, s1;
	s16 =	sshll.u32 s1, $0x6;
	s8 =	sshll.u32 s6, $0x4  }
0xa: {  	[smem:$0x7FF] =	sst s3;
	s9 =	sshll.u32 s6, $0x7;
	s6 =	ssub.s32 $0x2, s6  }
0xb: {  	s16 =	sor.u32 $0x1C02, s16;
	s10 =	sor.u32 s1, s8;
	s7 =	sor.u32 s9, s7  }
0xc: {  	s30 =	sshrl.u32 s6, $0x1;
	_ =	strace $0x80000047;
	s8 =	smul.u32 $0x500, s10  }
.Ltmp0:
0xd: {  	s31 =	sshrl.u32 s11, $0x2;
	s11 =	simm.s32 $0x5F00;
	(pc) =	sbr.rel .LBB2_1-.Ltmp0, $4  }
0xe: {  	s7 =	sshrl.u32 s7, $0x3;
	s9 =	ssub.s32 s6, s30;
	s6 =	sadd.s32 s31, s2  }
0xf: {  	p0 =	seq.s32 s10, $0x1F;
	s10 =	simm.s32 $0x1;
	s7 =	sadd.s32 s7, s4  }
0x10: {  	s17 =	sshrl.u32 s6, $0x3;
	s4 =	sadd.s32 s5, s8;
	s5 =	sadd.s32 $0x9B00, s5  }
0x11: {  	v0 =	vimm.f32 $1.000000000e+00;
	v1 =	vimm.f32 $0.0e+00;
	s7 =	sadd.s32 $0x1600, s7;
	s8 =	smax.u32 s9, $0x1;
	s9 =	simm.s32 $0x2800  }
.LBB2_14:
0x12: {  	s22 =	sadd.s32 $0x10, s23  }
0x13: {  	[tilespmem:s22+$0x0] =	vst v2  }
0x14: {  	[spmem:s2] =	stream.indirect.scatter.add.f32 [tilespmem:s15], [sflag:$0x2], $0x1, s14, s13, $0xb8;
	[tilespmem:$0x6400] =	vst v63  }
0x15: {  	_ =	swait.ge [sflag:s12], $0x500  }
0x16: {  	[sflag:s12] =	ssyncset.done $0x0  }
0x17: {  	[sflag:s12] =	ssyncadd.s32 $0xFFFFFB00  }
.LBB2_15:
0x18: {  	s3 =	sadd.s32 $0x1, s3  }
0x19: {  	p1 =	sne.s32 s3, s8  }
.Ltmp1:
0x1a: {  	[bflag:$0x0] =	sbarrier.arrive $0xFFFF;
	(pc) =	sbr.rel @!p1 .LBB2_16-.Ltmp1, $4  }
0x1b: {  	[hbm:s7@s18], [sflag:s16] =	dma.strided [spmem:s17@s19], $0x50, s10, $0x10   }
0x1c: {  	_ =	swait.ge [sflag:s12], $0x50  }
0x1d: {  	[sflag:s12] =	ssyncset.done $0x0  }
0x1e: {  	[sflag:s12] =	ssyncadd.s32 $0xFFFFFFB0  }
.LBB2_1:
.Ltmp2:
0x1f: {  	(pc) =	sbr.rel @!p0 .LBB2_2-.Ltmp2, $2  }
0x20: {  	_ =	sdelay $0x2  }
0x21: {  	s22 =	simm.s32 $0x0  }
0x22: {  	[tilespmem:s9], [sflag:$0x1] =	stream.linear.gather [hbm4b:s5+s22], $0xA00, $0x38;
	[tilespmem:$0x6400] =	vst v63  }
0x23: {  	s22 =	simm.s32 $0x40;
	s23 =	simm.s32 $0x0  }
.LBB2_6:
0x24: {  	p1 =	sne.s32 s22, $0x4FC0;
	[tilespmem:s23+$0x4B00] =	vst v0;
	s23 =	smov.u32 s22;
	s22 =	sadd.s32 $0x40, s22  }
.Ltmp3:
0x25: {  	(pc) =	sbr.rel @p1 .LBB2_6-.Ltmp3, $2  }
0x26: {  	_ =	sdelay $0x2  }
0x27: {  	s23 =	sshra.s32 s23, $0x2  }
0x28: {  	[tilespmem:s23+$0x4B00] =	vst v0  }
0x29: {  	[tilespmem:$0x5F00] =	vst v1  }
0x2a: {  	[tilespmem:$0x5F10] =	vst v1  }
0x2b: {  	[tilespmem:$0x5F20] =	vst v1  }
0x2c: {  	[tilespmem:$0x5F30] =	vst v1  }
0x2d: {  	[tilespmem:$0x5F40] =	vst v1  }
0x2e: {  	[tilespmem:$0x5F50] =	vst v1  }
0x2f: {  	[tilespmem:$0x5F60] =	vst v1  }
0x30: {  	[tilespmem:$0x5F70] =	vst v1  }
0x31: {  	[tilespmem:$0x5F80] =	vst v1  }
0x32: {  	[tilespmem:$0x5F90] =	vst v1  }
0x33: {  	[tilespmem:$0x5FA0] =	vst v1  }
0x34: {  	[tilespmem:$0x5FB0] =	vst v1  }
0x35: {  	[tilespmem:$0x5FC0] =	vst v1  }
0x36: {  	[tilespmem:$0x5FD0] =	vst v1  }
0x37: {  	[tilespmem:$0x5FE0] =	vst v1  }
0x38: {  	[tilespmem:$0x5FF0] =	vst v1  }
0x39: {  	[tilespmem:$0x6000] =	vst v1  }
0x3a: {  	[tilespmem:$0x6010] =	vst v1  }
0x3b: {  	[tilespmem:$0x6020] =	vst v1  }
0x3c: {  	[tilespmem:$0x6030] =	vst v1  }
0x3d: {  	[tilespmem:$0x6040] =	vst v1  }
0x3e: {  	[tilespmem:$0x6050] =	vst v1  }
0x3f: {  	[tilespmem:$0x6060] =	vst v1  }
0x40: {  	[tilespmem:$0x6070] =	vst v1  }
0x41: {  	[tilespmem:$0x6080] =	vst v1  }
0x42: {  	[tilespmem:$0x6090] =	vst v1  }
0x43: {  	[tilespmem:$0x60A0] =	vst v1  }
0x44: {  	[tilespmem:$0x60B0] =	vst v1  }
0x45: {  	[tilespmem:$0x60C0] =	vst v1  }
0x46: {  	[tilespmem:$0x60D0] =	vst v1  }
0x47: {  	[tilespmem:$0x60E0] =	vst v1  }
0x48: {  	[tilespmem:$0x60F0] =	vst v1  }
0x49: {  	[tilespmem:$0x6100] =	vst v1  }
0x4a: {  	[tilespmem:$0x6110] =	vst v1  }
0x4b: {  	[tilespmem:$0x6120] =	vst v1  }
0x4c: {  	[tilespmem:$0x6130] =	vst v1  }
0x4d: {  	[tilespmem:$0x6140] =	vst v1  }
0x4e: {  	[tilespmem:$0x6150] =	vst v1  }
.Ltmp4:
0x4f: {  	[tilespmem:$0x6160] =	vst v1;
	(pc) =	sbr.rel .LBB2_8-.Ltmp4, $4  }
0x50: {  	[tilespmem:$0x6170] =	vst v1  }
0x51: {  	_ =	swait.ge [sflag:s10], $0xA00  }
0x52: {  	[sflag:s10] =	ssyncset.done $0x0  }
0x53: {  	[sflag:s10] =	ssyncadd.s32 $0xFFFFF600  }
.LBB2_2:
0x54: {  	[tilespmem:s22], [sflag:$0x1] =	stream.linear.gather [hbm4b:s4+s22], $0x2800, $0x38;
	[tilespmem:$0x6400] =	vst v63  }
0x55: {  	s22 =	simm.s32 $0x40;
	s23 =	simm.s32 $0x0  }
.LBB2_3:
0x56: {  	p1 =	sne.s32 s22, $0x4FC0;
	[tilespmem:s23+$0x4B00] =	vst v0;
	s23 =	smov.u32 s22;
	s22 =	sadd.s32 $0x40, s22  }
.Ltmp5:
0x57: {  	(pc) =	sbr.rel @p1 .LBB2_3-.Ltmp5, $2  }
0x58: {  	_ =	sdelay $0x2  }
0x59: {  	s23 =	sshra.s32 s23, $0x2  }
0x5a: {  	[tilespmem:s23+$0x4B00] =	vst v0  }
0x5b: {  	[tilespmem:$0x5F00] =	vst v1  }
0x5c: {  	[tilespmem:$0x5F10] =	vst v1  }
0x5d: {  	[tilespmem:$0x5F20] =	vst v1  }
0x5e: {  	[tilespmem:$0x5F30] =	vst v1  }
0x5f: {  	[tilespmem:$0x5F40] =	vst v1  }
0x60: {  	[tilespmem:$0x5F50] =	vst v1  }
0x61: {  	[tilespmem:$0x5F60] =	vst v1  }
0x62: {  	[tilespmem:$0x5F70] =	vst v1  }
0x63: {  	[tilespmem:$0x5F80] =	vst v1  }
0x64: {  	[tilespmem:$0x5F90] =	vst v1  }
0x65: {  	[tilespmem:$0x5FA0] =	vst v1  }
0x66: {  	[tilespmem:$0x5FB0] =	vst v1  }
0x67: {  	[tilespmem:$0x5FC0] =	vst v1  }
0x68: {  	[tilespmem:$0x5FD0] =	vst v1  }
0x69: {  	[tilespmem:$0x5FE0] =	vst v1  }
0x6a: {  	[tilespmem:$0x5FF0] =	vst v1  }
0x6b: {  	[tilespmem:$0x6000] =	vst v1  }
0x6c: {  	[tilespmem:$0x6010] =	vst v1  }
0x6d: {  	[tilespmem:$0x6020] =	vst v1  }
0x6e: {  	[tilespmem:$0x6030] =	vst v1  }
0x6f: {  	[tilespmem:$0x6040] =	vst v1  }
0x70: {  	[tilespmem:$0x6050] =	vst v1  }
0x71: {  	[tilespmem:$0x6060] =	vst v1  }
0x72: {  	[tilespmem:$0x6070] =	vst v1  }
0x73: {  	[tilespmem:$0x6080] =	vst v1  }
0x74: {  	[tilespmem:$0x6090] =	vst v1  }
0x75: {  	[tilespmem:$0x60A0] =	vst v1  }
0x76: {  	[tilespmem:$0x60B0] =	vst v1  }
0x77: {  	[tilespmem:$0x60C0] =	vst v1  }
0x78: {  	[tilespmem:$0x60D0] =	vst v1  }
0x79: {  	[tilespmem:$0x60E0] =	vst v1  }
0x7a: {  	[tilespmem:$0x60F0] =	vst v1  }
0x7b: {  	[tilespmem:$0x6100] =	vst v1  }
0x7c: {  	[tilespmem:$0x6110] =	vst v1  }
0x7d: {  	[tilespmem:$0x6120] =	vst v1  }
0x7e: {  	[tilespmem:$0x6130] =	vst v1  }
0x7f: {  	[tilespmem:$0x6140] =	vst v1  }
0x80: {  	[tilespmem:$0x6150] =	vst v1  }
0x81: {  	[tilespmem:$0x6160] =	vst v1  }
0x82: {  	[tilespmem:$0x6170] =	vst v1  }
0x83: {  	_ =	swait.ge [sflag:s10], $0x2800  }
0x84: {  	[sflag:s10] =	ssyncset.done $0x0  }
0x85: {  	[sflag:s10] =	ssyncadd.s32 $0xFFFFD800  }
.LBB2_8:
0x86: {  	[spmem:s6] =	stream.linear.scatter [tilespmem:s11], [sflag:$0x2], $0x280, $0x38;
	[tilespmem:$0x6400] =	vst v63  }
.Ltmp6:
0x87: {  	_ =	swait.ge [sflag:s12], $0x280;
	(pc) =	sbr.rel @!p0 .LBB2_9-.Ltmp6, $4  }
0x88: {  	[sflag:s12] =	ssyncset.done $0x0  }
0x89: {  	[sflag:s12] =	ssyncadd.s32 $0xFFFFFD80  }
0x8a: {  	[bflag:$0x0] =	sbarrier.arrive $0xFFFF  }
0x8b: {  	s22 =	simm.s32 $0x3200;
	s24 =	simm.s32 $0x0;
	s23 =	simm.s32 $0x4600  }
0x8c: {  	s22 =	sand.u32 $0x3C00, s24  }
0x8d: {  	s29 =	sand.u32 $0x70, s24;
	s22 =	sshrl.u32 s22, $0x2  }
0x8e: {  	s22 =	sor.u32 s29, s22  }
0x8f: {  	v2 =	vld [tilespmem:s22+$0x2880];
	_ =	sdelay $0x1  }
0x90: {  	s30 =	simm.s32 $0x80  }
0x91: {  	s31 =	simm.s32 $0x10;
	s22 =	sand.u32 $0x3C00, s30  }
0x92: {  	s24 =	sand.u32 $0x70, s31;
	s22 =	sshrl.u32 s22, $0x2  }
0x93: {  	s24 =	sor.u32 s24, s22;
	[tilespmem:s23+$0x0] =	vst v2  }
0x94: {  	v2 =	vld [tilespmem:s24+$0x2880]  }
0x95: {  	s22 =	simm.s32 $0x20;
	s24 =	simm.s32 $0x100  }
.LBB2_13:
0x96: {  	s25 =	sand.u32 $0x3C00, s24;
	p1 =	sne.s32 s22, $0x4F0  }
0x97: {  	s26 =	smov.u32 s22;
	s22 =	sadd.s32 $0x10, s22;
	s23 =	sadd.s32 $0x10, s23  }
.Ltmp7:
0x98: {  	s26 =	sand.u32 $0x70, s26;
	s25 =	sshrl.u32 s25, $0x2;
	(pc) =	sbr.rel @p1 .LBB2_13-.Ltmp7, $3  }
0x99: {  	s25 =	sor.u32 s26, s25;
	[tilespmem:s23+$0x0] =	vst v2  }
0x9a: {  	v2 =	vld [tilespmem:s25+$0x2880];
	_ =	sdelay $0x1  }
0x9b: {  	s24 =	sadd.s32 $0x80, s24  }
.Ltmp8:
0x9c: {  	_ = 	snop;
	(pc) =	sbr.rel .LBB2_14-.Ltmp8, $1  }
0x9d: {  	_ =	sdelay $0x3  }
.LBB2_9:
0x9e: {  	s23 =	sand.u32 $0xFC00, s24  }
0x9f: {  	s29 =	sand.u32 $0x70, s24;
	s23 =	sshrl.u32 s23, $0x2  }
0xa0: {  	s23 =	sor.u32 s29, s23  }
0xa1: {  	v2 =	vld [tilespmem:s23+$0x80];
	_ =	sdelay $0x1  }
0xa2: {  	s30 =	simm.s32 $0x80  }
0xa3: {  	s31 =	simm.s32 $0x10;
	s23 =	sand.u32 $0xFC00, s30  }
0xa4: {  	s24 =	sand.u32 $0x70, s31;
	s23 =	sshrl.u32 s23, $0x2  }
0xa5: {  	s24 =	sor.u32 s24, s23;
	[tilespmem:s22+$0x0] =	vst v2  }
0xa6: {  	v2 =	vld [tilespmem:s24+$0x80]  }
0xa7: {  	s23 =	simm.s32 $0x20;
	s24 =	simm.s32 $0x100  }
.LBB2_10:
0xa8: {  	s25 =	sand.u32 $0xFC00, s24;
	p1 =	sne.s32 s23, $0x13F0  }
0xa9: {  	s26 =	smov.u32 s23;
	s23 =	sadd.s32 $0x10, s23;
	s22 =	sadd.s32 $0x10, s22  }
.Ltmp9:
0xaa: {  	s26 =	sand.u32 $0x70, s26;
	s25 =	sshrl.u32 s25, $0x2;
	(pc) =	sbr.rel @p1 .LBB2_10-.Ltmp9, $3  }
0xab: {  	s25 =	sor.u32 s26, s25;
	[tilespmem:s22+$0x0] =	vst v2  }
0xac: {  	v2 =	vld [tilespmem:s25+$0x80];
	_ =	sdelay $0x1  }
0xad: {  	s24 =	sadd.s32 $0x80, s24  }
0xae: {  	_ = 	snop  }
0xaf: {  	s22 =	sadd.s32 $0x10, s22  }
.Ltmp10:
0xb0: {  	[tilespmem:s22+$0x0] =	vst v2;
	(pc) =	sbr.rel .LBB2_15-.Ltmp10, $4  }
0xb1: {  	[spmem:s2] =	stream.indirect.scatter.add.f32 [tilespmem:s15], [sflag:$0x2], $0x1, s21, s20, $0xb8;
	[tilespmem:$0x6400] =	vst v63  }
0xb2: {  	_ =	swait.ge [sflag:s12], $0x1400  }
0xb3: {  	[sflag:s12] =	ssyncset.done $0x0  }
0xb4: {  	[sflag:s12] =	ssyncadd.s32 $0xFFFFEC00  }
.LBB2_16:
0xb5: {  	_ =	sfence.sel $0x180000  }
0xb6: {  	[bflag:$0x0] =	sbarrier.arrive $0xFFFF  }
0xb7: {  	p0 =	sne.s32 s1, $0x0;
	_ =	strace $0x90000047  }
0xb8: {  	s0 =	sadd.s32 @!p0 $0x100000, s0;
	[bflag:$0x2] =	sbarrier.arrive $0xFFFF  }
0xb9: {  	[sflag:s0] =	ssyncadd.tile.s32 @!p0 $0x1;
	_ =	shalt  }
.Lfunc_end2:
_tile_overlayer_lowered:
.L_overlay_start_2:
0xba: {  	(tag) =	ssettag $0x2  }
0xbb: {  	s0 =	rddreg [dreg:$0x0];
	s2 =	stileid.u32  }
0xbc: {  	s1 =	rddreg [dreg:$0x1];
	p0 =	sne.s32 s2, $0x0  }
0xbd: {  	s3 =	rddreg [dreg:$0x2];
	[bflag:$0x3] =	sbarrier.arrive $0xFFFF;
	s2 =	simm.s32 @!p0 $0x1C02  }
0xbe: {  	[timem:s3], [sflag:s2] =	dma.local @!p0 [hbm:s0], s1  }
0xbf: {  	s0 =	simm.s32 @!p0 $0x2  }
0xc0: {  	_ =	swait.ge @!p0 [sflag:s0], s1  }
0xc1: {  	s1 =	ssub.s32 @!p0 $0x0, s1;
	[sflag:s0] =	ssyncset.done @!p0 $0x0  }
0xc2: {  	[sflag:s0] =	ssyncadd.s32 @!p0 s1  }
0xc3: {  	[bflag:$0x3] =	sbarrier.arrive $0xFFFF  }
0xc4: {  	_ =	shalt  }

// kernel: kernel.9.cloned.1.call-start
scs
__scs_entry_jumppad:
0x0: {  	(pc) =	sbr.rel $0x88, $3  }
0x1: {  	(tag) =	ssettag $0x0;
	lr =	simm.s32 $0x1  }
0x2: {  	[smem:$0x3F9E] =	sst lr;
	_ =	strace $0xD0000000  }
0x3: {  	_ = 	snop  }
0x4: {  	_ = 	snop  }
0x5: {  	_ = 	snop  }
0x6: {  	_ = 	snop  }
0x7: {  	_ = 	snop  }
__scs_overlays_trampoline_lowered:
0x8: {  	[smem:$0x3FAD] =	sst s0  }
0x9: {  	[smem:$0x3FAE] =	sst s1  }
0xa: {  	[smem:$0x3FAF] =	sst s2  }
0xb: {  	[smem:$0x3FB0] =	sst s3  }
0xc: {  	[smem:$0x3FB1] =	sst s4  }
0xd: {  	[smem:$0x3FB2] =	sst s5  }
0xe: {  	[smem:$0x3FB3] =	sst s6  }
0xf: {  	[smem:$0x3FB4] =	sst s7  }
0x10: {  	[smem:$0x3FB5] =	sst s8  }
0x11: {  	[smem:$0x3FB6] =	sst s9;
	s0 =	simm.s32 @!p0 $0x0  }
0x12: {  	s1 =	sld [smem:$0x3F9C];
	s0 =	simm.s32 @p0 $0x1  }
0x13: {  	[smem:$0x3FB7] =	sst s0;
	s0 =	simm.s32 @!p1 $0x0  }
0x14: {  	s2 =	sld [smem:$0x3F9B];
	s0 =	simm.s32 @p1 $0x1  }
0x15: {  	[smem:$0x3FB8] =	sst s0;
	s0 =	simm.s32 @!p2 $0x0  }
0x16: {  	s3 =	sld [smem:$0x3FDB];
	s0 =	simm.s32 @p2 $0x1  }
0x17: {  	s4 =	simm.s32 $0x1BF5;
	[smem:$0x3FBA] =	sst s0  }
0x18: {  	s0 =	sld [smem:$0x3F9D];
	_ =	swait.ge [sflag:s4], $0x0  }
0x19: {  	s7 =	sld [smem:$0x3F9E]  }
0x1a: {  	s8 =	sadd.s32 $0xFFFFE003, lr  }
0x1b: {  	s9 =	sadd.s32 $0xFFFFFEF7, lr;
	s5 =	simm.s32 $0xFFFFFFFF;
	p2 =	slt.u32 s8, $0xFFFFF086  }
0x1c: {  	p1 =	slt.u32 s9, $0xF7A;
	s5 =	simm.s32 @!p2 $0x0  }
0x1d: {  	s5 =	simm.s32 @p1 $0x1;
	p0 =	seq.s32 s7, s2  }
0x1e: {  	s7 =	smul.u32 @!p0 $0xF7A, s2;
	p2 =	seq.s32 @!p0 s5, $0x0  }
0x1f: {  	s9 =	smul.u32 $0xF7A, s1;
	s8 =	simm.s32 @!p0 $0x1BF5;
	p2 =	por !p2, p0  }
0x20: {  	[sflag:s8] =	ssyncset.s32 @!p0 $0xFFFFF086;
	s6 =	sadd.s32 @!p0 s3, s7;
	s7 =	simm.s32 @!p0 $0x108  }
0x21: {  	s3 =	sadd.s32 s3, s9;
	s6 =	sadd.s32 @!p0 $0x88, s6;
	s7 =	simm.s32 @p2 $0x1082  }
0x22: {  	[simem:s7], [sflag:s8] =	dma.local @!p0 [hbm:s6], $0xF7A  }
0x23: {  	s9 =	sor.u32 $0xD0000000, s2;
	s6 =	simm.s32 $0x108;
	_ =	swait.ge @!p0 [sflag:s8], $0x0  }
0x24: {  	s3 =	sadd.s32 $0x88, s3;
	s6 =	simm.s32 @!p1 $0x1082;
	[sflag:s4] =	ssyncset.s32 $0xFFFFF086  }
0x25: {  	[simem:s6], [sflag:s4] =	dma.local [hbm:s3], $0xF7A  }
0x26: {  	[smem:$0x3F9E] =	sst s1;
	(tag) =	ssettag s2;
	_ =	strace s9  }
0x27: {  	s1 =	sld [smem:$0x3FAE]  }
0x28: {  	s2 =	sld [smem:$0x3FAF]  }
0x29: {  	s4 =	sld [smem:$0x3FB1]  }
0x2a: {  	p0 =	seq.s32 s5, $0x0;
	s5 =	sld [smem:$0x3FB2]  }
0x2b: {  	s6 =	sld [smem:$0x3FB3]  }
0x2c: {  	s7 =	sld [smem:$0x3FB4]  }
0x2d: {  	s3 =	simm.s32 $0x108;
	s8 =	sld [smem:$0x3FB5]  }
0x2e: {  	s3 =	simm.s32 @!p0 $0x1082;
	s9 =	sld [smem:$0x3FB6]  }
0x2f: {  	lr =	sadd.s32 s0, s3;
	s0 =	sld [smem:$0x3FAD]  }
0x30: {  	s3 =	sld [smem:$0x3FB0]  }
0x31: {  	[smem:$0x3FB9] =	sst s10  }
0x32: {  	s10 =	sld [smem:$0x3FB7];
	_ =	sdelay $0x3  }
0x33: {  	p0 =	seq.s32 s10, $0x1;
	s10 =	sld [smem:$0x3FB9];
	_ =	sdelay $0x3  }
0x34: {  	[smem:$0x3FB9] =	sst s10  }
0x35: {  	s10 =	sld [smem:$0x3FB8];
	_ =	sdelay $0x3  }
0x36: {  	p1 =	seq.s32 s10, $0x1;
	s10 =	sld [smem:$0x3FB9];
	_ =	sdelay $0x3  }
0x37: {  	[smem:$0x3FB9] =	sst s10  }
0x38: {  	s10 =	sld [smem:$0x3FBA]  }
0x39: {  	_ = 	snop;
	(pc) =	sbr.ind lr, $3  }
0x3a: {  	_ = 	snop  }
0x3b: {  	_ = 	snop  }
0x3c: {  	p2 =	seq.s32 s10, $0x1;
	s10 =	sld [smem:$0x3FB9]  }
0x3d: {  	_ =	shalt  }
0x3e: {  	_ =	shalt  }
0x3f: {  	_ =	shalt  }
0x40: {  	_ =	shalt  }
0x41: {  	_ =	shalt  }
0x42: {  	_ =	shalt  }
0x43: {  	_ =	shalt  }
0x44: {  	_ =	shalt  }
0x45: {  	_ =	shalt  }
0x46: {  	_ =	shalt  }
0x47: {  	_ =	shalt  }
0x48: {  	_ =	shalt  }
0x49: {  	_ =	shalt  }
0x4a: {  	_ =	shalt  }
0x4b: {  	_ =	shalt  }
0x4c: {  	_ =	shalt  }
0x4d: {  	_ =	shalt  }
0x4e: {  	_ =	shalt  }
0x4f: {  	_ =	shalt  }
0x50: {  	_ =	shalt  }
0x51: {  	_ =	shalt  }
0x52: {  	_ =	shalt  }
0x53: {  	_ =	shalt  }
0x54: {  	_ =	shalt  }
0x55: {  	_ =	shalt  }
0x56: {  	_ =	shalt  }
0x57: {  	_ =	shalt  }
0x58: {  	_ =	shalt  }
0x59: {  	_ =	shalt  }
0x5a: {  	_ =	shalt  }
0x5b: {  	_ =	shalt  }
0x5c: {  	_ =	shalt  }
0x5d: {  	_ =	shalt  }
0x5e: {  	_ =	shalt  }
0x5f: {  	_ =	shalt  }
0x60: {  	_ =	shalt  }
0x61: {  	_ =	shalt  }
0x62: {  	_ =	shalt  }
0x63: {  	_ =	shalt  }
0x64: {  	_ =	shalt  }
0x65: {  	_ =	shalt  }
0x66: {  	_ =	shalt  }
0x67: {  	_ =	shalt  }
0x68: {  	_ =	shalt  }
0x69: {  	_ =	shalt  }
0x6a: {  	_ =	shalt  }
0x6b: {  	_ =	shalt  }
0x6c: {  	_ =	shalt  }
0x6d: {  	_ =	shalt  }
0x6e: {  	_ =	shalt  }
0x6f: {  	_ =	shalt  }
0x70: {  	_ =	shalt  }
0x71: {  	_ =	shalt  }
0x72: {  	_ =	shalt  }
0x73: {  	_ =	shalt  }
0x74: {  	_ =	shalt  }
0x75: {  	_ =	shalt  }
0x76: {  	_ =	shalt  }
0x77: {  	_ =	shalt  }
0x78: {  	_ =	shalt  }
0x79: {  	_ =	shalt  }
0x7a: {  	_ =	shalt  }
0x7b: {  	_ =	shalt  }
0x7c: {  	_ =	shalt  }
0x7d: {  	_ =	shalt  }
0x7e: {  	_ =	shalt  }
0x7f: {  	_ =	shalt  }
0x80: {  	_ =	shalt  }
0x81: {  	_ =	shalt  }
0x82: {  	_ =	shalt  }
0x83: {  	_ =	shalt  }
0x84: {  	_ =	shalt  }
0x85: {  	_ =	shalt  }
0x86: {  	_ =	shalt  }
0x87: {  	_ =	shalt  }
.Lfunc_end0:
.L_simem_size_0:
called_computation.1_lowered:
.L_overlay_start_0:
0x88: {  	s2 =	sld [smem:$0x3FD9]  }
0x89: {  	s3 =	sld [smem:$0x3FFE];
	_ =	sdelay $0x1  }
0x8a: {  	s1 =	srdreg.scid  }
0x8b: {  	s0 =	sand.u32 $0x1, s1  }
0x8c: {  	s17 =	sshll.u32 s0, $0xA;
	s2 =	sadd.s32 s3, s2  }
0x8d: {  	s2 =	sadd.s32 s2, s17  }
0x8e: {  	[smem:$0x3FC5] =	sst s2  }
0x8f: {  	_ = 	snop  }
0x90: {  	s2 =	sld [smem:$0x3FC8];
	(tm) =	ssettm $0x1  }
0x91: {  	s18 =	sld [smem:$0x3FFB];
	_ =	sdelay $0x3  }
0x92: {  	_ =	strace s18  }
0x93: {  	s3 =	sld [smem:$0x3FFC];
	_ =	sdelay $0x3  }
0x94: {  	_ =	strace s3  }
0x95: {  	s3 =	sld [smem:$0x3FFD];
	_ =	sdelay $0x3  }
0x96: {  	_ =	strace s3  }
0x97: {  	_ =	strace $0x8FFFFFFF  }
0x98: {  	s19 =	sld [smem:$0x3FDB];
	_ =	sdelay $0x1  }
0x99: {  	s4 =	simm.s32 $_scs_section_size  }
0x9a: {  	s5 =	simm.s32 $_size__tile_overlayer_lowered;
	s6 =	simm.s32 $_tile_overlayer_lowered  }
0x9b: {  	s22 =	simm.s32 $0x1BFF;
	s21 =	sshll.u32 s6, $0x1;
	s3 =	sadd.s32 s4, s19  }
0x9c: {  	s7 =	simm.s32 $0x0;
	s20 =	sshll.u32 s5, $0x1;
	s5 =	sadd.s32 s21, s3  }
0x9d: {  	[timem:s7], [sflag:s22] =	dma.local [hbm:s5], s20  }
0x9e: {  	_ =	swait.ge [sflag:s22], s20  }
0x9f: {  	s4 =	ssub.s32 $0x0, s20;
	[sflag:s22] =	ssyncset.done $0x0  }
0xa0: {  	[sflag:s22] =	ssyncadd.s32 s4;
	_ =	sdelay $0x1  }
0xa1: {  	s23 =	simm.s32 $0x1B8B  }
0xa2: {  	_ =	swait.ge [sflag:s23], $0x1  }
0xa3: {  	[sflag:s23] =	ssyncset.done $0x0  }
0xa4: {  	s25 =	simm.s32 $0x1B8E;
	s24 =	sld [smem:$0x3FFE];
	[sflag:s23] =	ssyncadd.s32 $0xFFFFFFFF  }
0xa5: {  	s26 =	simm.s32 $execute0_lowered;
	[smem:$0x3FD2] =	sst s25  }
0xa6: {  	s5 =	sshll.u32 s26, $0x1;
	_ =	strace $0x80000049;
	[dreg:$0x1] =	wrdreg $0xFFFFFFFF  }
0xa7: {  	s28 =	simm.s32 $_size_execute0_lowered;
	s3 =	sadd.s32 s3, s5;
	[dreg:$0x0] =	wrdreg $0x0  }
0xa8: {  	s5 =	sshll.u32 s28, $0x1;
	[dreg:$0x2] =	wrdreg s3  }
0xa9: {  	[dreg:$0x3] =	wrdreg s5  }
0xaa: {  	[dreg:$0x4] =	wrdreg $0xC0  }
0xab: {  	_ =	task [dreg:s7], $0x5FFFF  }
0xac: {  	[dreg:$0x1] =	wrdreg $0xFFFFFFFF  }
0xad: {  	[dreg:$0x0] =	wrdreg $0x60  }
0xae: {  	[dreg:$0x2] =	wrdreg s2  }
0xaf: {  	[dreg:$0x3] =	wrdreg s24  }
0xb0: {  	[dreg:$0x4] =	wrdreg $0x91000  }
0xb1: {  	[dreg:$0x5] =	wrdreg $0x8E800  }
0xb2: {  	[dreg:$0x6] =	wrdreg $0x9  }
0xb3: {  	_ =	task.clear_ibuf [dreg:s7], $0x7FFFF;
	_ =	strace $0x90000049  }
0xb4: {  	s29 =	simm.s32 $0x9;
	_ =	strace $0x8000004B  }
0xb5: {  	_ =	swait.ge [sflag:s29], $0x1  }
0xb6: {  	[sflag:s29] =	ssyncadd.s32 $0xFFFFFFFF  }
0xb7: {  	_ =	strace $0x9000004B  }
0xb8: {  	_ =	sfence  }
0xb9: {  	s30 =	sld [smem:$0x0];
	_ =	sdelay $0x2  }
0xba: {  	s31 =	sshll.u32 s1, $0xD;
	s1 =	sshrl.u32 s1, $0x2  }
0xbb: {  	s3 =	sand.u32 $0x4000, s31;
	s1 =	sadd.s32 s1, s30  }
0xbc: {  	s0 =	sor.u32 s3, s0;
	s1 =	sshll.u32 s1, $0x11  }
0xbd: {  	s0 =	sor.u32 s1, s0  }
0xbe: {  	s0 =	sadd.s32 $0x8F2B, s0  }
0xbf: {  	[sflag:s0] =	ssyncadd.remote.s32 $0x1  }
0xc0: {  	_ =	sfence.sel $0xFFFF  }
0xc1: {  	[dreg:$0x0] =	wrdreg $0xFFFFFFFF;
	(pc) =	sbr.abs _section_cstart, $3  }
0xc2: {  	[dreg:$0x1] =	wrdreg $0xFFFFFFFF  }
0xc3: {  	_ =	task.clear_ibuf [dreg:s7], $0x2FFFF;
	_ =	strace $0x9FFFFFFF  }
0xc4: {  	(tm) =	ssettm $0x7FFFFFFF  }
0xc5: {  	_ =	shalt  }
tec
execute0_lowered:
.L_overlay_start_1:
0x0: {  	(tag) =	ssettag $0x1  }
0x1: {  	s0 =	rddreg [dreg:$0x0]  }
0x2: {  	s5 =	rddreg [dreg:$0x1]  }
0x3: {  	s2 =	rddreg [dreg:$0x2]  }
0x4: {  	s3 =	rddreg [dreg:$0x3]  }
0x5: {  	s1 =	stileid.u32;
	s6 =	srdreg.scid  }
0x6: {  	s4 =	simm.s32 $0x0;
	s17 =	simm.s32 $0x100;
	s22 =	simm.s32 $0x4  }
0x7: {  	s24 =	simm.s32 $0x1;
	s21 =	simm.s32 $0xA00;
	s28 =	simm.s32 $0x2  }
0x8: {  	s19 =	simm.s32 $0x3;
	s20 =	simm.s32 $0x0;
	s7 =	smul.u32 $0x500, s1  }
0x9: {  	s18 =	sand.u32 $0x1, s6;
	[smem:$0x7FF] =	sst s4;
	s11 =	smul.u32 $0x280, s1  }
0xa: {  	s6 =	sshll.u32 s18, $0x7;
	_ =	strace $0x8000004A;
	s30 =	ssub.s32 $0x2, s18  }
0xb: {  	s31 =	sshll.u32 s18, $0x4;
	p1 =	sne.s32 s18, $0x0;
	s8 =	sshrl.u32 s7, $0x3  }
0xc: {  	s6 =	sor.u32 s6, s7;
	s9 =	sshrl.u32 s11, $0x3;
	s10 =	sshrl.u32 s30, $0x1  }
0xd: {  	s16 =	sor.u32 s1, s31;
	s29 =	sadd.s32 s8, s5;
	s6 =	sshrl.u32 s6, $0x3  }
0xe: {  	s13 =	sadd.s32 s9, s5;
	s15 =	ssub.s32 s30, s10;
	s8 =	smul.u32 $0x500, s16  }
.Ltmp0:
0xf: {  	s9 =	sadd.s32 $0x9B00, s0;
	s10 =	sadd.s32 s11, s2;
	(pc) =	sbr.rel .LBB2_1-.Ltmp0, $4  }
0x10: {  	s11 =	sadd.s32 s11, s3;
	p0 =	seq.s32 s16, $0x1F;
	s16 =	simm.s32 $0x80  }
0x11: {  	s14 =	sadd.s32 s6, s5;
	s5 =	sadd.s32 $0x1600, s29;
	s6 =	sadd.s32 $0x1610, s29  }
0x12: {  	s7 =	sadd.s32 $0x2000, s13;
	s12 =	sadd.s32 $0x3000, s13;
	s13 =	sadd.s32 $0x3600, s13  }
0x13: {  	v0 =	vimm.f32 $0.0e+00;
	s15 =	smax.u32 s15, $0x1;
	s8 =	sadd.s32 s0, s8;
	s14 =	sadd.s32 $0x2600, s14  }
.LBB2_15:
0x14: {  	s0 =	sadd.s32 $0x10, s0  }
0x15: {  	[tilespmem:s0+$0x0] =	vst v1  }
0x16: {  	_ =	swait.ge [sflag:s28], $0xA00  }
0x17: {  	[sflag:s28] =	ssyncset.done $0x0  }
0x18: {  	s26 =	simm.s32 $0x6400;
	s18 =	simm.s32 $0x4600;
	[sflag:s28] =	ssyncadd.s32 $0xFFFFF600  }
0x19: {  	[spmem:s2] =	stream.indirect.scatter.add.f32 [tilespmem:s26], [sflag:$0x3], $0x1, s18, s21, $0xb8;
	[tilespmem:$0x9380] =	vst v63  }
0x1a: {  	s29 =	simm.s32 $0x3C00;
	s30 =	simm.s32 $0x6E00  }
0x1b: {  	[tilespmem:s30], [sflag:$0x2] =	stream.indirect.gather [spmem:s3], $0x1, s29, s21, $0xb8;
	[tilespmem:$0x9380] =	vst v63  }
0x1c: {  	_ =	swait.ge [sflag:s28], $0xA00  }
0x1d: {  	[sflag:s28] =	ssyncset.done $0x0  }
0x1e: {  	s31 =	simm.s32 $0x5000;
	[sflag:s28] =	ssyncadd.s32 $0xFFFFF600  }
0x1f: {  	[spmem:s2] =	stream.indirect.scatter.add.f32 [tilespmem:s30], [sflag:$0x3], $0x1, s31, s21, $0xb8;
	[tilespmem:$0x9380] =	vst v63  }
0x20: {  	_ =	swait.ge [sflag:s19], $0xA00  }
0x21: {  	[sflag:s19] =	ssyncset.done $0x0  }
0x22: {  	[sflag:s19] =	ssyncadd.s32 $0xFFFFF600  }
0x23: {  	_ =	swait.ge [sflag:s19], $0xA00  }
0x24: {  	[sflag:s19] =	ssyncset.done $0x0  }
0x25: {  	[sflag:s19] =	ssyncadd.s32 $0xFFFFF600  }
.LBB2_21:
0x26: {  	s0 =	sshll.u32 s1, $0x6;
	[bflag:$0x0] =	sbarrier.arrive $0xFFFF;
	s20 =	sadd.s32 $0x1, s20  }
0x27: {  	s18 =	sshrl.u32 s10, $0x3;
	s23 =	simm.s32 $0x20;
	p2 =	sne.s32 s20, s15  }
.Ltmp1:
0x28: {  	s25 =	simm.s32 $0x10;
	s0 =	sor.u32 $0x1C04, s0;
	(pc) =	sbr.rel @!p2 .LBB2_22-.Ltmp1, $4  }
0x29: {  	[hbm:s14@s23], [sflag:s0] =	dma.strided [spmem:s18@s25], $0x50, s24, $0x10   }
0x2a: {  	_ =	swait.ge [sflag:s22], $0x50  }
0x2b: {  	[sflag:s22] =	ssyncset.done $0x0  }
0x2c: {  	[sflag:s22] =	ssyncadd.s32 $0xFFFFFFB0  }
.LBB2_1:
0x2d: {  	s0 =	simm.s32 $0x7F80  }
0x2e: {  	[tilespmem:s0], [sflag:$0x1] =	stream.strided.gather [hbm4b:s5+s16], $0x280, s17, s16, $0x38;
	[tilespmem:$0x9380] =	vst v63  }
.Ltmp2:
0x2f: {  	_ = 	snop;
	(pc) =	sbr.rel @!p0 .LBB2_2-.Ltmp2, $4  }
0x30: {  	s30 =	simm.s32 $0x8200  }
0x31: {  	[tilespmem:s30], [sflag:$0x1] =	stream.strided.gather [hbm4b:s6+s16], $0x280, s17, s16, $0x38;
	[tilespmem:$0x9380] =	vst v63  }
0x32: {  	s31 =	simm.s32 $0x8480  }
0x33: {  	[tilespmem:s31], [sflag:$0x1] =	stream.linear.gather [hbm4b:s7+s4], $0x280, $0x38;
	[tilespmem:$0x9380] =	vst v63  }
.Ltmp3:
0x34: {  	s0 =	simm.s32 $0x2800;
	(pc) =	sbr.rel .LBB2_6-.Ltmp3, $4  }
0x35: {  	[tilespmem:s0], [sflag:$0x4] =	stream.linear.gather [hbm4b:s9+s4], $0xA00, $0x38;
	[tilespmem:$0x9380] =	vst v63  }
0x36: {  	_ =	swait.ge [sflag:s22], $0xA00  }
0x37: {  	[sflag:s22] =	ssyncset.done $0x0  }
0x38: {  	[sflag:s22] =	ssyncadd.s32 $0xFFFFF600  }
.LBB2_2:
0x39: {  	s0 =	simm.s32 $0x0  }
0x3a: {  	[tilespmem:s0], [sflag:$0x4] =	stream.linear.gather [hbm4b:s8+s0], $0x2800, $0x38;
	[tilespmem:$0x9380] =	vst v63  }
0x3b: {  	s23 =	sand.u32 $0x7C00, s0;
	_ =	swait.ge [sflag:s22], $0x2800  }
0x3c: {  	s0 =	sand.u32 $0x70, s0;
	s23 =	sshrl.u32 s23, $0x2;
	[sflag:s22] =	ssyncset.done $0x0  }
0x3d: {  	s0 =	sor.u32 s0, s23;
	[sflag:s22] =	ssyncadd.s32 $0xFFFFD800  }
0x3e: {  	v1 =	vld [tilespmem:s0+$0x0];
	_ =	sdelay $0x1  }
0x3f: {  	s30 =	simm.s32 $0x80  }
0x40: {  	s31 =	simm.s32 $0x10;
	s25 =	sand.u32 $0x7C00, s30  }
0x41: {  	s25 =	sshrl.u32 s25, $0x2;
	s23 =	sand.u32 $0x70, s31;
	s0 =	simm.s32 $0x3200  }
0x42: {  	s25 =	sor.u32 s23, s25;
	[tilespmem:s0+$0x0] =	vst v1  }
0x43: {  	v1 =	vld [tilespmem:s25+$0x0]  }
0x44: {  	s23 =	simm.s32 $0x20;
	s25 =	simm.s32 $0x100  }
.LBB2_3:
0x45: {  	s26 =	sand.u32 $0x7C00, s25;
	p2 =	seq.s32 s23, $0x9F0  }
0x46: {  	s29 =	smov.u32 s23;
	s23 =	sadd.s32 $0x10, s23;
	s0 =	sadd.s32 $0x10, s0  }
.Ltmp4:
0x47: {  	s29 =	sand.u32 $0x70, s29;
	s26 =	sshrl.u32 s26, $0x2;
	(pc) =	sbr.rel @!p2 .LBB2_3-.Ltmp4, $3  }
0x48: {  	s26 =	sor.u32 s29, s26;
	[tilespmem:s0+$0x0] =	vst v1  }
0x49: {  	v1 =	vld [tilespmem:s26+$0x0];
	_ =	sdelay $0x1  }
0x4a: {  	s25 =	sadd.s32 $0x80, s25  }
0x4b: {  	_ = 	snop  }
0x4c: {  	s0 =	sadd.s32 $0x10, s0  }
0x4d: {  	[tilespmem:s0+$0x0] =	vst v1  }
.LBB2_6:
0x4e: {  	[tilespmem:$0x7D00] =	vst v0  }
0x4f: {  	[tilespmem:$0x7D10] =	vst v0  }
0x50: {  	[tilespmem:$0x7D20] =	vst v0  }
0x51: {  	[tilespmem:$0x7D30] =	vst v0  }
0x52: {  	[tilespmem:$0x7D40] =	vst v0  }
0x53: {  	[tilespmem:$0x7D50] =	vst v0  }
0x54: {  	[tilespmem:$0x7D60] =	vst v0  }
0x55: {  	[tilespmem:$0x7D70] =	vst v0  }
0x56: {  	[tilespmem:$0x7D80] =	vst v0  }
0x57: {  	[tilespmem:$0x7D90] =	vst v0  }
0x58: {  	[tilespmem:$0x7DA0] =	vst v0  }
0x59: {  	[tilespmem:$0x7DB0] =	vst v0  }
0x5a: {  	[tilespmem:$0x7DC0] =	vst v0  }
0x5b: {  	[tilespmem:$0x7DD0] =	vst v0  }
0x5c: {  	[tilespmem:$0x7DE0] =	vst v0  }
0x5d: {  	[tilespmem:$0x7DF0] =	vst v0  }
0x5e: {  	[tilespmem:$0x7E00] =	vst v0  }
0x5f: {  	[tilespmem:$0x7E10] =	vst v0  }
0x60: {  	[tilespmem:$0x7E20] =	vst v0  }
0x61: {  	[tilespmem:$0x7E30] =	vst v0  }
0x62: {  	[tilespmem:$0x7E40] =	vst v0  }
0x63: {  	[tilespmem:$0x7E50] =	vst v0  }
0x64: {  	[tilespmem:$0x7E60] =	vst v0  }
0x65: {  	[tilespmem:$0x7E70] =	vst v0  }
0x66: {  	[tilespmem:$0x7E80] =	vst v0  }
0x67: {  	[tilespmem:$0x7E90] =	vst v0  }
0x68: {  	[tilespmem:$0x7EA0] =	vst v0  }
0x69: {  	[tilespmem:$0x7EB0] =	vst v0  }
0x6a: {  	[tilespmem:$0x7EC0] =	vst v0  }
0x6b: {  	[tilespmem:$0x7ED0] =	vst v0  }
0x6c: {  	[tilespmem:$0x7EE0] =	vst v0  }
0x6d: {  	[tilespmem:$0x7EF0] =	vst v0  }
0x6e: {  	[tilespmem:$0x7F00] =	vst v0  }
0x6f: {  	[tilespmem:$0x7F10] =	vst v0  }
0x70: {  	[tilespmem:$0x7F20] =	vst v0  }
0x71: {  	[tilespmem:$0x7F30] =	vst v0  }
0x72: {  	[tilespmem:$0x7F40] =	vst v0  }
0x73: {  	[tilespmem:$0x7F50] =	vst v0  }
0x74: {  	[tilespmem:$0x7F60] =	vst v0  }
0x75: {  	[tilespmem:$0x7F70] =	vst v0;
	s0 =	simm.s32 $0x7D00  }
0x76: {  	[spmem:s10] =	stream.linear.scatter [tilespmem:s0], [sflag:$0x4], $0x280, $0x38;
	[tilespmem:$0x9380] =	vst v63  }
0x77: {  	_ =	swait.ge [sflag:s22], $0x280  }
0x78: {  	[sflag:s22] =	ssyncset.done $0x0  }
0x79: {  	[sflag:s22] =	ssyncadd.s32 $0xFFFFFD80  }
0x7a: {  	_ =	swait.ge [sflag:s24], $0x280  }
0x7b: {  	[sflag:s24] =	ssyncset.done $0x0  }
0x7c: {  	[sflag:s24] =	ssyncadd.s32 $0xFFFFFD80  }
0x7d: {  	_ =	swait.ge [sflag:s24], $0x280  }
0x7e: {  	[sflag:s24] =	ssyncset.done $0x0  }
0x7f: {  	[sflag:s24] =	ssyncadd.s32 $0xFFFFFD80  }
0x80: {  	_ =	swait.ge [sflag:s24], $0x280  }
0x81: {  	[sflag:s24] =	ssyncset.done $0x0  }
0x82: {  	s26 =	simm.s32 $0x0;
	[sflag:s24] =	ssyncadd.s32 $0xFFFFFD80  }
0x83: {  	v1 =	vld [tilespmem:s26+$0x7F80]  }
0x84: {  	v2 =	vld [tilespmem:s26+$0x8200];
	_ =	sdelay $0x4  }
0x85: {  	v1 =	vadd.f32 v2, v1;
	_ =	sdelay $0x1  }
0x86: {  	v1 =	vadd.f32 $1.000000000e+00, v1;
	_ =	sdelay $0x1  }
0x87: {  	(erf) = vrcp.f32 v1;
	_ =	sdelay $0x7  }
0x88: {  	v3 =	vmul.f32 $5.000000000e-01, v1  }
0x89: {  	v1 =	vpop (erf)  }
0x8a: {  	v2 =	vmul.f32 v1, v3;
	_ =	sdelay $0x1  }
0x8b: {  	v2 =	vmul.f32 v2, v1;
	_ =	sdelay $0x1  }
0x8c: {  	v2 =	vsub.f32 $1.500000000e+00, v2;
	_ =	sdelay $0x1  }
0x8d: {  	v1 =	vmul.f32 v2, v1;
	_ =	sdelay $0x1  }
0x8e: {  	v2 =	vmul.f32 v1, v3;
	_ =	sdelay $0x1  }
0x8f: {  	v2 =	vmul.f32 v2, v1;
	_ =	sdelay $0x1  }
0x90: {  	v2 =	vsub.f32 $1.500000000e+00, v2  }
0x91: {  	s23 =	simm.s32 $0x10  }
0x92: {  	v4 =	vld [tilespmem:s23+$0x7F80];
	v1 =	vmul.f32 v2, v1  }
0x93: {  	v2 =	vld [tilespmem:s23+$0x8200]  }
0x94: {  	v5 =	vmul.f32 v1, v3;
	_ =	sdelay $0x1  }
0x95: {  	v5 =	vmul.f32 v5, v1;
	_ =	sdelay $0x1  }
0x96: {  	v2 =	vadd.f32 v2, v4;
	v4 =	vsub.f32 $1.500000000e+00, v5;
	_ =	sdelay $0x1  }
0x97: {  	v2 =	vadd.f32 $1.000000000e+00, v2;
	v1 =	vmul.f32 v4, v1;
	_ =	sdelay $0x1  }
0x98: {  	(erf) = vrcp.f32 v2;
	v4 =	vmul.f32 v1, v3;
	_ =	sdelay $0x1  }
0x99: {  	v4 =	vmul.f32 v4, v1;
	_ =	sdelay $0x1  }
0x9a: {  	v4 =	vsub.f32 $1.500000000e+00, v4;
	_ =	sdelay $0x1  }
0x9b: {  	v4 =	vmul.f32 v4, v1;
	_ =	sdelay $0x1  }
0x9c: {  	v1 =	vmul.f32 $5.000000000e-01, v2;
	v2 =	vmul.f32 v4, v3  }
0x9d: {  	v5 =	vpop (erf)  }
0x9e: {  	v6 =	vmul.f32 v5, v1;
	v2 =	vmul.f32 v2, v4;
	_ =	sdelay $0x1  }
0x9f: {  	v6 =	vmul.f32 v6, v5;
	v2 =	vsub.f32 $1.500000000e+00, v2;
	_ =	sdelay $0x1  }
0xa0: {  	v6 =	vsub.f32 $1.500000000e+00, v6;
	v2 =	vmul.f32 v2, v4;
	_ =	sdelay $0x1  }
0xa1: {  	v4 =	vmul.f32 v6, v5;
	v5 =	vmul.f32 v2, v3;
	_ =	sdelay $0x1  }
0xa2: {  	v6 =	vmul.f32 v4, v1;
	v5 =	vmul.f32 v5, v2;
	_ =	sdelay $0x1  }
0xa3: {  	v6 =	vmul.f32 v6, v4;
	v5 =	vsub.f32 $1.500000000e+00, v5;
	_ =	sdelay $0x1  }
0xa4: {  	s25 =	simm.s32 $0x20;
	v6 =	vsub.f32 $1.500000000e+00, v6;
	v2 =	vmul.f32 v5, v2  }
0xa5: {  	v7 =	vld [tilespmem:s25+$0x8200]  }
0xa6: {  	v5 =	vld [tilespmem:s25+$0x7F80];
	v4 =	vmul.f32 v6, v4;
	v6 =	vmul.f32 v2, v3;
	_ =	sdelay $0x1  }
0xa7: {  	v8 =	vmul.f32 v4, v1;
	v6 =	vmul.f32 v6, v2;
	_ =	sdelay $0x1  }
0xa8: {  	v8 =	vmul.f32 v8, v4;
	v6 =	vsub.f32 $1.500000000e+00, v6  }
0xa9: {  	v5 =	vadd.f32 v7, v5  }
0xaa: {  	v7 =	vsub.f32 $1.500000000e+00, v8;
	v2 =	vmul.f32 v6, v2  }
0xab: {  	v5 =	vadd.f32 $1.000000000e+00, v5  }
0xac: {  	v4 =	vmul.f32 v7, v4;
	v6 =	vmul.f32 v2, v3  }
0xad: {  	(erf) = vrcp.f32 v5  }
0xae: {  	v7 =	vmul.f32 v4, v1;
	v6 =	vmul.f32 v6, v2;
	_ =	sdelay $0x1  }
0xaf: {  	v7 =	vmul.f32 v7, v4;
	v6 =	vsub.f32 $1.500000000e+00, v6;
	_ =	sdelay $0x1  }
0xb0: {  	v7 =	vsub.f32 $1.500000000e+00, v7;
	v6 =	vmul.f32 v6, v2;
	_ =	sdelay $0x1  }
0xb1: {  	v4 =	vmul.f32 v7, v4;
	v7 =	vmul.f32 v6, v3  }
0xb2: {  	v2 =	vmul.f32 $5.000000000e-01, v5  }
0xb3: {  	v5 =	vpop (erf);
	v8 =	vmul.f32 v4, v1;
	v7 =	vmul.f32 v7, v6  }
0xb4: {  	v9 =	vmul.f32 v5, v2  }
0xb5: {  	v8 =	vmul.f32 v8, v4;
	v7 =	vsub.f32 $1.500000000e+00, v7  }
0xb6: {  	v9 =	vmul.f32 v9, v5  }
0xb7: {  	v8 =	vsub.f32 $1.500000000e+00, v8;
	v6 =	vmul.f32 v7, v6  }
0xb8: {  	v7 =	vsub.f32 $1.500000000e+00, v9  }
0xb9: {  	v4 =	vmul.f32 v8, v4;
	v8 =	vmul.f32 v6, v3  }
0xba: {  	v5 =	vmul.f32 v7, v5  }
0xbb: {  	v7 =	vmul.f32 v4, v1;
	v8 =	vmul.f32 v8, v6  }
0xbc: {  	v9 =	vmul.f32 v5, v2  }
0xbd: {  	v7 =	vmul.f32 v7, v4;
	v8 =	vsub.f32 $1.500000000e+00, v8  }
0xbe: {  	v9 =	vmul.f32 v9, v5  }
0xbf: {  	v7 =	vsub.f32 $1.500000000e+00, v7;
	v6 =	vmul.f32 v8, v6  }
0xc0: {  	v8 =	vsub.f32 $1.500000000e+00, v9  }
0xc1: {  	s29 =	simm.s32 $0x30;
	v4 =	vmul.f32 v7, v4;
	v7 =	vmul.f32 v6, v3  }
0xc2: {  	v9 =	vld [tilespmem:s29+$0x7F80];
	v5 =	vmul.f32 v8, v5  }
0xc3: {  	v8 =	vld [tilespmem:s29+$0x8200];
	v10 =	vmul.f32 v4, v1;
	v7 =	vmul.f32 v7, v6  }
0xc4: {  	v11 =	vmul.f32 v5, v2  }
0xc5: {  	v10 =	vmul.f32 v10, v4;
	v7 =	vsub.f32 $1.500000000e+00, v7  }
0xc6: {  	v11 =	vmul.f32 v11, v5  }
0xc7: {  	v10 =	vsub.f32 $1.500000000e+00, v10;
	v6 =	vmul.f32 v7, v6  }
0xc8: {  	v7 =	vadd.f32 v8, v9;
	v8 =	vsub.f32 $1.500000000e+00, v11  }
0xc9: {  	v4 =	vmul.f32 v10, v4;
	v9 =	vmul.f32 v6, v3  }
0xca: {  	v7 =	vadd.f32 $1.000000000e+00, v7;
	v5 =	vmul.f32 v8, v5  }
0xcb: {  	v8 =	vmul.f32 v4, v1;
	v9 =	vmul.f32 v9, v6  }
0xcc: {  	(erf) = vrcp.f32 v7;
	v10 =	vmul.f32 v5, v2  }
0xcd: {  	v8 =	vmul.f32 v8, v4;
	v9 =	vsub.f32 $1.500000000e+00, v9  }
0xce: {  	v10 =	vmul.f32 v10, v5  }
0xcf: {  	v8 =	vsub.f32 $1.500000000e+00, v8;
	v6 =	vmul.f32 v9, v6  }
0xd0: {  	v9 =	vsub.f32 $1.500000000e+00, v10  }
0xd1: {  	v8 =	vmul.f32 v8, v4;
	v4 =	vmul.f32 v6, v3  }
0xd2: {  	v5 =	vmul.f32 v9, v5  }
0xd3: {  	v9 =	vmul.f32 v8, v1;
	v10 =	vmul.f32 v4, v6  }
0xd4: {  	v4 =	vmul.f32 $5.000000000e-01, v7;
	v7 =	vmul.f32 v5, v2  }
0xd5: {  	v11 =	vpop (erf);
	v9 =	vmul.f32 v9, v8;
	v10 =	vsub.f32 $1.500000000e+00, v10  }
0xd6: {  	v12 =	vmul.f32 v11, v4;
	v7 =	vmul.f32 v7, v5  }
0xd7: {  	v9 =	vsub.f32 $1.500000000e+00, v9;
	v6 =	vmul.f32 v10, v6  }
0xd8: {  	v10 =	vmul.f32 v12, v11;
	v7 =	vsub.f32 $1.500000000e+00, v7  }
0xd9: {  	v8 =	vmul.f32 v9, v8;
	v9 =	vmul.f32 v6, v3  }
0xda: {  	v10 =	vsub.f32 $1.500000000e+00, v10;
	v5 =	vmul.f32 v7, v5  }
0xdb: {  	v7 =	vmul.f32 v8, v1;
	v9 =	vmul.f32 v9, v6  }
0xdc: {  	v10 =	vmul.f32 v10, v11;
	v11 =	vmul.f32 v5, v2  }
0xdd: {  	s31 =	simm.s32 $0x40;
	v7 =	vmul.f32 v7, v8;
	v9 =	vsub.f32 $1.500000000e+00, v9  }
0xde: {  	v14 =	vld [tilespmem:s31+$0x8200];
	v13 =	vmul.f32 v10, v4;
	v11 =	vmul.f32 v11, v5  }
0xdf: {  	v12 =	vld [tilespmem:s31+$0x7F80];
	v7 =	vsub.f32 $1.500000000e+00, v7;
	v6 =	vmul.f32 v9, v6  }
0xe0: {  	v9 =	vmul.f32 v13, v10;
	v11 =	vsub.f32 $1.500000000e+00, v11  }
0xe1: {  	v7 =	vmul.f32 v7, v8;
	v8 =	vmul.f32 v6, v3  }
0xe2: {  	v9 =	vsub.f32 $1.500000000e+00, v9;
	v5 =	vmul.f32 v11, v5  }
0xe3: {  	v11 =	vmul.f32 v7, v1;
	v8 =	vmul.f32 v8, v6  }
0xe4: {  	v12 =	vadd.f32 v14, v12;
	v9 =	vmul.f32 v9, v10;
	v10 =	vmul.f32 v5, v2  }
0xe5: {  	v11 =	vmul.f32 v11, v7;
	v8 =	vsub.f32 $1.500000000e+00, v8  }
0xe6: {  	v12 =	vadd.f32 $1.000000000e+00, v12;
	v13 =	vmul.f32 v9, v4;
	v10 =	vmul.f32 v10, v5  }
0xe7: {  	v11 =	vsub.f32 $1.500000000e+00, v11;
	v6 =	vmul.f32 v8, v6  }
0xe8: {  	(erf) = vrcp.f32 v12;
	v8 =	vmul.f32 v13, v9;
	v10 =	vsub.f32 $1.500000000e+00, v10  }
0xe9: {  	v7 =	vmul.f32 v11, v7;
	v11 =	vmul.f32 v6, v3  }
0xea: {  	v8 =	vsub.f32 $1.500000000e+00, v8;
	v10 =	vmul.f32 v10, v5  }
0xeb: {  	v5 =	vmul.f32 v7, v1;
	v11 =	vmul.f32 v11, v6  }
0xec: {  	v8 =	vmul.f32 v8, v9;
	v9 =	vmul.f32 v10, v2  }
0xed: {  	v5 =	vmul.f32 v5, v7;
	v11 =	vsub.f32 $1.500000000e+00, v11  }
0xee: {  	v13 =	vmul.f32 v8, v4;
	v9 =	vmul.f32 v9, v10  }
0xef: {  	v14 =	vsub.f32 $1.500000000e+00, v5;
	v6 =	vmul.f32 v11, v6  }
0xf0: {  	v5 =	vmul.f32 $5.000000000e-01, v12;
	v11 =	vmul.f32 v13, v8;
	v9 =	vsub.f32 $1.500000000e+00, v9  }
0xf1: {  	v12 =	vpop (erf);
	v7 =	vmul.f32 v14, v7;
	v13 =	vmul.f32 v6, v3  }
0xf2: {  	v14 =	vmul.f32 v12, v5;
	v11 =	vsub.f32 $1.500000000e+00, v11;
	v9 =	vmul.f32 v9, v10  }
0xf3: {  	v10 =	vmul.f32 v7, v1;
	v13 =	vmul.f32 v13, v6  }
0xf4: {  	v8 =	vmul.f32 v11, v8;
	v11 =	vmul.f32 v9, v2  }
0xf5: {  	s0 =	simm.s32 $0x50;
	v14 =	vmul.f32 v14, v12;
	v10 =	vmul.f32 v10, v7;
	v13 =	vsub.f32 $1.500000000e+00, v13  }
0xf6: {  	v15 =	vld [tilespmem:s0+$0x7F80];
	v16 =	vmul.f32 v8, v4;
	v11 =	vmul.f32 v11, v9  }
0xf7: {  	v17 =	vld [tilespmem:s0+$0x8200];
	v10 =	vsub.f32 $1.500000000e+00, v10;
	v13 =	vmul.f32 v13, v6  }
0xf8: {  	v6 =	vsub.f32 $1.500000000e+00, v14;
	v14 =	vmul.f32 v16, v8;
	v11 =	vsub.f32 $1.500000000e+00, v11  }
0xf9: {  	v7 =	vmul.f32 v10, v7;
	v10 =	vmul.f32 v13, v3  }
0xfa: {  	v12 =	vmul.f32 v6, v12;
	v6 =	vsub.f32 $1.500000000e+00, v14;
	v9 =	vmul.f32 v11, v9  }
0xfb: {  	v11 =	vmul.f32 v7, v1;
	v10 =	vmul.f32 v10, v13  }
0xfc: {  	v14 =	vadd.f32 v17, v15;
	v15 =	vmul.f32 v6, v8;
	v8 =	vmul.f32 v9, v2  }
0xfd: {  	v16 =	vmul.f32 v12, v5;
	v11 =	vmul.f32 v11, v7  }
0xfe: {  	v6 =	vadd.f32 $1.000000000e+00, v14;
	v10 =	vsub.f32 $1.500000000e+00, v10;
	v14 =	vmul.f32 v15, v4  }
0xff: {  	v8 =	vmul.f32 v8, v9;
	v16 =	vmul.f32 v16, v12;
	v11 =	vsub.f32 $1.500000000e+00, v11  }
0x100: {  	(erf) = vrcp.f32 v6;
	v17 =	vmul.f32 v10, v13  }
0x101: {  	v10 =	vmul.f32 v14, v15;
	v13 =	vsub.f32 $1.500000000e+00, v8;
	v8 =	vmul.f32 v11, v7  }
0x102: {  	v11 =	vsub.f32 $1.500000000e+00, v16;
	v7 =	vmul.f32 v17, v3  }
0x103: {  	v10 =	vsub.f32 $1.500000000e+00, v10;
	v9 =	vmul.f32 v13, v9;
	v14 =	vmul.f32 v8, v1  }
0x104: {  	v13 =	vmul.f32 v11, v12;
	v7 =	vmul.f32 v7, v17  }
0x105: {  	v10 =	vmul.f32 v10, v15;
	v11 =	vmul.f32 v9, v2  }
0x106: {  	v12 =	vmul.f32 v14, v8;
	v15 =	vmul.f32 v13, v5;
	v7 =	vsub.f32 $1.500000000e+00, v7  }
0x107: {  	v14 =	vmul.f32 v10, v4;
	v11 =	vmul.f32 v11, v9  }
0x108: {  	s30 =	simm.s32 $0x180;
	v12 =	vsub.f32 $1.500000000e+00, v12;
	v7 =	vmul.f32 v7, v17  }
.LBB2_7:
0x109: {  	p2 =	sne.s32 s30, $0x9C0;
	v16 =	vpop (erf);
	v15 =	vmul.f32 v15, v13;
	v14 =	vmul.f32 v14, v10;
	v11 =	vsub.f32 $1.500000000e+00, v11  }
0x10a: {  	v8 =	vmul.f32 v12, v8;
	v12 =	vmul.f32 v7, v3;
	v3 =	vmovc v1;
	v1 =	vmovc v2;
	v2 =	vmov v4  }
0x10b: {  	v4 =	vmovc v5;
	v5 =	vmul.f32 $5.000000000e-01, v6;
	v14 =	vsub.f32 $1.500000000e+00, v14;
	v9 =	vmul.f32 v11, v9  }
0x10c: {  	v6 =	vsub.f32 $1.500000000e+00, v15;
	v11 =	vmul.f32 v8, v3;
	v12 =	vmul.f32 v12, v7  }
0x10d: {  	v10 =	vmul.f32 v14, v10;
	v14 =	vmul.f32 v9, v1  }
0x10e: {  	v6 =	vmul.f32 v6, v13;
	v11 =	vmul.f32 v11, v8;
	v12 =	vsub.f32 $1.500000000e+00, v12  }
0x10f: {  	v13 =	vmul.f32 v10, v2;
	v14 =	vmul.f32 v14, v9;
	v15 =	vld [tilespmem:s26+$0x8480]  }
0x110: {  	v17 =	vmul.f32 v16, v5;
	v11 =	vsub.f32 $1.500000000e+00, v11;
	v7 =	vmul.f32 v12, v7  }
0x111: {  	v12 =	vmul.f32 v6, v4;
	v13 =	vmul.f32 v13, v10;
	v14 =	vsub.f32 $1.500000000e+00, v14  }
0x112: {  	v8 =	vmul.f32 v11, v8;
	[tilespmem:s26+$0x8980] =	vst v7;
	v11 =	vmul.f32 v7, v7  }
0x113: {  	v12 =	vmul.f32 v12, v6;
	v13 =	vsub.f32 $1.500000000e+00, v13;
	v9 =	vmul.f32 v14, v9  }
0x114: {  	v14 =	vmul.f32 v8, v3;
	v11 =	vmul.f32 v11, v15  }
0x115: {  	s18 =	sshra.s32 s30, $0x2;
	v17 =	vmul.f32 v17, v16;
	v12 =	vsub.f32 $1.500000000e+00, v12;
	v10 =	vmul.f32 v13, v10  }
0x116: {  	v18 =	vmul.f32 v9, v1;
	v13 =	vld [tilespmem:s18+$0x7F80];
	v14 =	vmul.f32 v14, v8;
	[tilespmem:s26+$0x8C00] =	vst v11  }
0x117: {  	v12 =	vmul.f32 v12, v6;
	v11 =	vld [tilespmem:s18+$0x8200];
	v6 =	vmul.f32 v10, v2  }
0x118: {  	v7 =	vmul.f32 v7, v15;
	v18 =	vmul.f32 v18, v9;
	v14 =	vsub.f32 $1.500000000e+00, v14  }
0x119: {  	v15 =	vsub.f32 $1.500000000e+00, v17;
	v17 =	vmul.f32 v12, v4;
	v6 =	vmul.f32 v6, v10  }
0x11a: {  	v18 =	vsub.f32 $1.500000000e+00, v18;
	v8 =	vmul.f32 v14, v8;
	[tilespmem:s26+$0x8700] =	vst v7;
	s26 =	smov.u32 s23;
	s23 =	smov.u32 s25;
	s25 =	smov.u32 s29  }
0x11b: {  	v7 =	vmul.f32 v15, v16;
	v14 =	vmul.f32 v17, v12;
	s29 =	smov.u32 s31;
	s31 =	smov.u32 s0;
	s0 =	smov.u32 s18;
	v6 =	vsub.f32 $1.500000000e+00, v6  }
0x11c: {  	v9 =	vmul.f32 v18, v9;
	v11 =	vadd.f32 v11, v13;
	v13 =	vmul.f32 v8, v3  }
0x11d: {  	v15 =	vmul.f32 v7, v5;
	v14 =	vsub.f32 $1.500000000e+00, v14;
	v10 =	vmul.f32 v6, v10  }
0x11e: {  	v16 =	vmul.f32 v9, v1;
	v13 =	vmul.f32 v13, v8  }
0x11f: {  	v6 =	vadd.f32 $1.000000000e+00, v11;
	v11 =	vmul.f32 v14, v12;
	v12 =	vmul.f32 v10, v2  }
0x120: {  	v14 =	vmul.f32 v15, v7;
	v15 =	vmul.f32 v16, v9;
	v13 =	vsub.f32 $1.500000000e+00, v13  }
0x121: {  	v16 =	vmul.f32 v11, v4;
	v12 =	vmul.f32 v12, v10  }
0x122: {  	v15 =	vsub.f32 $1.500000000e+00, v15;
	(erf) = vrcp.f32 v6;
	v17 =	vmul.f32 v13, v8  }
0x123: {  	v13 =	vsub.f32 $1.500000000e+00, v14;
	v14 =	vmul.f32 v16, v11;
	v12 =	vsub.f32 $1.500000000e+00, v12  }
0x124: {  	v8 =	vmul.f32 v15, v9;
	v15 =	vmul.f32 v17, v3  }
0x125: {  	v13 =	vmul.f32 v13, v7;
	v7 =	vsub.f32 $1.500000000e+00, v14;
	v9 =	vmul.f32 v12, v10  }
.Ltmp5:
0x126: {  	v12 =	vmul.f32 v8, v1;
	v14 =	vmul.f32 v15, v17;
	(pc) =	sbr.rel @p2 .LBB2_7-.Ltmp5, $4  }
0x127: {  	v10 =	vmul.f32 v7, v11;
	v7 =	vmul.f32 v9, v2  }
0x128: {  	v15 =	vmul.f32 v13, v5;
	v12 =	vmul.f32 v12, v8;
	v16 =	vsub.f32 $1.500000000e+00, v14  }
0x129: {  	v14 =	vmul.f32 v10, v4;
	v11 =	vmul.f32 v7, v9  }
0x12a: {  	s30 =	sadd.s32 $0x40, s30;
	v12 =	vsub.f32 $1.500000000e+00, v12;
	v7 =	vmul.f32 v16, v17  }
0x12b: {  	v6 =	vmul.f32 $5.000000000e-01, v6  }
0x12c: {  	v16 =	vpop (erf)  }
0x12d: {  	v17 =	vmul.f32 v16, v6;
	_ =	sdelay $0x1  }
0x12e: {  	v17 =	vmul.f32 v17, v16;
	_ =	sdelay $0x1  }
0x12f: {  	v17 =	vsub.f32 $1.500000000e+00, v17;
	_ =	sdelay $0x1  }
0x130: {  	v16 =	vmul.f32 v17, v16;
	_ =	sdelay $0x1  }
0x131: {  	v17 =	vmul.f32 v16, v6  }
0x132: {  	v15 =	vmul.f32 v15, v13  }
0x133: {  	v17 =	vmul.f32 v17, v16  }
0x134: {  	v15 =	vsub.f32 $1.500000000e+00, v15  }
0x135: {  	v17 =	vsub.f32 $1.500000000e+00, v17  }
0x136: {  	v52 =	vmul.f32 v15, v13  }
0x137: {  	v53 =	vmul.f32 v17, v16  }
0x138: {  	v54 =	vmul.f32 v52, v5  }
0x139: {  	v17 =	vmul.f32 v53, v6  }
0x13a: {  	v16 =	vmul.f32 v54, v52  }
0x13b: {  	v17 =	vmul.f32 v17, v53  }
0x13c: {  	v16 =	vsub.f32 $1.500000000e+00, v16  }
0x13d: {  	v17 =	vsub.f32 $1.500000000e+00, v17  }
0x13e: {  	v13 =	vmul.f32 v16, v52  }
0x13f: {  	v15 =	vmul.f32 v17, v53  }
0x140: {  	v16 =	vmul.f32 v13, v5  }
0x141: {  	v17 =	vmul.f32 v15, v6  }
0x142: {  	v16 =	vmul.f32 v16, v13  }
0x143: {  	v17 =	vmul.f32 v17, v15  }
0x144: {  	v16 =	vsub.f32 $1.500000000e+00, v16  }
0x145: {  	v17 =	vsub.f32 $1.500000000e+00, v17  }
0x146: {  	v13 =	vmul.f32 v16, v13  }
0x147: {  	v15 =	vmul.f32 v17, v15  }
0x148: {  	v16 =	vmul.f32 v13, v5  }
0x149: {  	v14 =	vmul.f32 v14, v10;
	v17 =	vmul.f32 v15, v6  }
0x14a: {  	v16 =	vmul.f32 v16, v13  }
0x14b: {  	v14 =	vsub.f32 $1.500000000e+00, v14;
	v17 =	vmul.f32 v17, v15  }
0x14c: {  	v16 =	vsub.f32 $1.500000000e+00, v16  }
0x14d: {  	v55 =	vmul.f32 v14, v10;
	v56 =	vsub.f32 $1.500000000e+00, v17  }
0x14e: {  	v13 =	vmul.f32 v16, v13  }
0x14f: {  	v57 =	vmul.f32 v55, v4;
	v14 =	vmul.f32 v56, v15  }
0x150: {  	v58 =	vmul.f32 v13, v5  }
0x151: {  	v16 =	vmul.f32 v57, v55;
	v59 =	vmul.f32 v14, v6  }
0x152: {  	v15 =	vmul.f32 v58, v13  }
0x153: {  	v16 =	vsub.f32 $1.500000000e+00, v16;
	v17 =	vmul.f32 v59, v14  }
0x154: {  	v15 =	vsub.f32 $1.500000000e+00, v15  }
0x155: {  	v10 =	vmul.f32 v16, v55;
	v60 =	vsub.f32 $1.500000000e+00, v17  }
0x156: {  	v13 =	vmul.f32 v15, v13  }
0x157: {  	v61 =	vmul.f32 v10, v4;
	v14 =	vmul.f32 v60, v14  }
0x158: {  	v62 =	vmul.f32 v13, v5  }
0x159: {  	v15 =	vmul.f32 v61, v10;
	v63 =	vmul.f32 v14, v6  }
0x15a: {  	v16 =	vmul.f32 v62, v13  }
0x15b: {  	v15 =	vsub.f32 $1.500000000e+00, v15;
	v17 =	vmul.f32 v63, v14  }
0x15c: {  	v11 =	vsub.f32 $1.500000000e+00, v11;
	v20 =	vsub.f32 $1.500000000e+00, v16  }
0x15d: {  	v8 =	vmul.f32 v12, v8;
	v10 =	vmul.f32 v15, v10;
	v21 =	vsub.f32 $1.500000000e+00, v17  }
0x15e: {  	v9 =	vmul.f32 v11, v9;
	v12 =	vmul.f32 v20, v13  }
0x15f: {  	v23 =	vmul.f32 v10, v4;
	v11 =	vmul.f32 v21, v14  }
0x160: {  	v25 =	vmul.f32 v12, v5  }
0x161: {  	v13 =	vmul.f32 v23, v10;
	v26 =	vmul.f32 v11, v6  }
0x162: {  	v16 =	vmul.f32 v25, v12  }
0x163: {  	v22 =	vmul.f32 v8, v1;
	v13 =	vsub.f32 $1.500000000e+00, v13;
	v17 =	vmul.f32 v26, v11  }
0x164: {  	v24 =	vmul.f32 v9, v2;
	v16 =	vsub.f32 $1.500000000e+00, v16  }
0x165: {  	v15 =	vmul.f32 v22, v8;
	v10 =	vmul.f32 v13, v10;
	v27 =	vsub.f32 $1.500000000e+00, v17  }
0x166: {  	v14 =	vmul.f32 v24, v9;
	v12 =	vmul.f32 v16, v12  }
0x167: {  	v28 =	vmul.f32 v10, v4;
	v11 =	vmul.f32 v27, v11  }
0x168: {  	v14 =	vsub.f32 $1.500000000e+00, v14;
	v29 =	vmul.f32 v12, v5  }
0x169: {  	v15 =	vsub.f32 $1.500000000e+00, v15;
	v30 =	vmul.f32 v28, v10;
	v31 =	vmul.f32 v11, v6  }
0x16a: {  	v9 =	vmul.f32 v14, v9;
	v13 =	vmul.f32 v29, v12  }
0x16b: {  	v8 =	vmul.f32 v15, v8;
	v14 =	vsub.f32 $1.500000000e+00, v30;
	v15 =	vmul.f32 v31, v11  }
0x16c: {  	v32 =	vmul.f32 v9, v2;
	v13 =	vsub.f32 $1.500000000e+00, v13  }
0x16d: {  	v10 =	vmul.f32 v14, v10;
	v34 =	vsub.f32 $1.500000000e+00, v15  }
0x16e: {  	v16 =	vmul.f32 v32, v9;
	v12 =	vmul.f32 v13, v12  }
0x16f: {  	v36 =	vmul.f32 v10, v4;
	v11 =	vmul.f32 v34, v11  }
0x170: {  	v16 =	vsub.f32 $1.500000000e+00, v16;
	v37 =	vmul.f32 v12, v5  }
0x171: {  	v13 =	vmul.f32 v36, v10;
	v38 =	vmul.f32 v11, v6  }
0x172: {  	v9 =	vmul.f32 v16, v9;
	v14 =	vmul.f32 v37, v12  }
0x173: {  	v33 =	vmul.f32 v8, v1;
	v13 =	vsub.f32 $1.500000000e+00, v13;
	v16 =	vmul.f32 v38, v11  }
0x174: {  	v39 =	vmul.f32 v9, v2;
	v14 =	vsub.f32 $1.500000000e+00, v14  }
0x175: {  	v35 =	vmul.f32 v33, v8;
	v10 =	vmul.f32 v13, v10;
	v40 =	vsub.f32 $1.500000000e+00, v16  }
0x176: {  	v17 =	vmul.f32 v39, v9;
	v12 =	vmul.f32 v14, v12  }
0x177: {  	v42 =	vmul.f32 v10, v4;
	v11 =	vmul.f32 v40, v11  }
0x178: {  	v41 =	vsub.f32 $1.500000000e+00, v17;
	v43 =	vmul.f32 v12, v5  }
0x179: {  	v15 =	vsub.f32 $1.500000000e+00, v35;
	v14 =	vmul.f32 v42, v10;
	v44 =	vmul.f32 v11, v6  }
0x17a: {  	v9 =	vmul.f32 v41, v9;
	v13 =	vmul.f32 v43, v12  }
0x17b: {  	v8 =	vmul.f32 v15, v8;
	v14 =	vsub.f32 $1.500000000e+00, v14;
	v15 =	vmul.f32 v44, v11  }
0x17c: {  	v45 =	vmul.f32 v9, v2;
	v13 =	vsub.f32 $1.500000000e+00, v13  }
0x17d: {  	v10 =	vmul.f32 v14, v10;
	v47 =	vsub.f32 $1.500000000e+00, v15  }
0x17e: {  	v16 =	vmul.f32 v45, v9;
	v12 =	vmul.f32 v13, v12  }
0x17f: {  	v49 =	vmul.f32 v10, v4;
	v11 =	vmul.f32 v47, v11  }
0x180: {  	v46 =	vmul.f32 v8, v1;
	v16 =	vsub.f32 $1.500000000e+00, v16;
	v50 =	vmul.f32 v12, v5  }
0x181: {  	v13 =	vmul.f32 v49, v10;
	v51 =	vmul.f32 v11, v6  }
0x182: {  	v9 =	vmul.f32 v16, v9;
	v14 =	vmul.f32 v50, v12  }
0x183: {  	v3 =	vmul.f32 v7, v3;
	v13 =	vsub.f32 $1.500000000e+00, v13;
	v16 =	vmul.f32 v51, v11  }
0x184: {  	v48 =	vmul.f32 v46, v8;
	v52 =	vmul.f32 v9, v2;
	v14 =	vsub.f32 $1.500000000e+00, v14  }
0x185: {  	v3 =	vmul.f32 v3, v7;
	v10 =	vmul.f32 v13, v10;
	v53 =	vsub.f32 $1.500000000e+00, v16  }
0x186: {  	v15 =	vsub.f32 $1.500000000e+00, v48;
	v17 =	vmul.f32 v52, v9;
	v12 =	vmul.f32 v14, v12  }
0x187: {  	v55 =	vmul.f32 v10, v4;
	v11 =	vmul.f32 v53, v11  }
0x188: {  	v8 =	vmul.f32 v15, v8;
	v54 =	vsub.f32 $1.500000000e+00, v17;
	v56 =	vmul.f32 v12, v5  }
0x189: {  	v14 =	vmul.f32 v55, v10;
	v57 =	vmul.f32 v11, v6  }
0x18a: {  	v3 =	vsub.f32 $1.500000000e+00, v3;
	v9 =	vmul.f32 v54, v9;
	v13 =	vmul.f32 v56, v12  }
0x18b: {  	v59 =	vmul.f32 v8, v1;
	v14 =	vsub.f32 $1.500000000e+00, v14;
	v15 =	vmul.f32 v57, v11  }
0x18c: {  	v3 =	vmul.f32 v3, v7;
	v58 =	vmul.f32 v9, v2;
	v13 =	vsub.f32 $1.500000000e+00, v13  }
0x18d: {  	v62 =	vmul.f32 v59, v8;
	v60 =	vmul.f32 v14, v10;
	v61 =	vsub.f32 $1.500000000e+00, v15  }
0x18e: {  	v16 =	vmul.f32 v58, v9;
	v12 =	vmul.f32 v13, v12  }
0x18f: {  	v20 =	vld [tilespmem:s26+$0x8480];
	v21 =	vmul.f32 v60, v4;
	v10 =	vmul.f32 v61, v11  }
0x190: {  	v25 =	vmul.f32 v3, v3;
	v63 =	vsub.f32 $1.500000000e+00, v16;
	v22 =	vmul.f32 v12, v5  }
0x191: {  	v14 =	vsub.f32 $1.500000000e+00, v62;
	v23 =	vmul.f32 v21, v60;
	v24 =	vmul.f32 v10, v6  }
0x192: {  	v9 =	vmul.f32 v63, v9;
	v11 =	vmul.f32 v22, v12  }
0x193: {  	v8 =	vmul.f32 v14, v8;
	v26 =	vsub.f32 $1.500000000e+00, v23;
	v27 =	vmul.f32 v24, v10  }
0x194: {  	[tilespmem:s26+$0x8980] =	vst v3;
	v3 =	vmul.f32 v3, v20;
	v29 =	vmul.f32 v9, v2;
	v11 =	vsub.f32 $1.500000000e+00, v11  }
0x195: {  	v1 =	vmul.f32 v8, v1;
	v7 =	vmul.f32 v26, v60;
	v30 =	vsub.f32 $1.500000000e+00, v27  }
0x196: {  	v31 =	vmul.f32 v29, v9;
	v11 =	vmul.f32 v11, v12  }
0x197: {  	v32 =	vmul.f32 v7, v4;
	v10 =	vmul.f32 v30, v10  }
0x198: {  	v1 =	vmul.f32 v1, v8;
	v33 =	vsub.f32 $1.500000000e+00, v31;
	v34 =	vmul.f32 v11, v5  }
0x199: {  	v12 =	vmul.f32 v32, v7;
	v35 =	vmul.f32 v10, v6  }
0x19a: {  	v9 =	vmul.f32 v33, v9;
	v36 =	vmul.f32 v34, v11  }
0x19b: {  	v1 =	vsub.f32 $1.500000000e+00, v1;
	v12 =	vsub.f32 $1.500000000e+00, v12;
	v37 =	vmul.f32 v35, v10  }
0x19c: {  	v28 =	vmul.f32 v25, v20;
	v38 =	vmul.f32 v9, v2;
	v14 =	vsub.f32 $1.500000000e+00, v36  }
0x19d: {  	[tilespmem:s26+$0x8700] =	vst v3;
	v1 =	vmul.f32 v1, v8;
	v7 =	vmul.f32 v12, v7;
	v39 =	vsub.f32 $1.500000000e+00, v37  }
0x19e: {  	[tilespmem:s26+$0x8C00] =	vst v28;
	v3 =	vmul.f32 v38, v9;
	v11 =	vmul.f32 v14, v11  }
0x19f: {  	v40 =	vld [tilespmem:s23+$0x8480];
	v41 =	vmul.f32 v7, v4;
	v8 =	vmul.f32 v39, v10  }
0x1a0: {  	v3 =	vsub.f32 $1.500000000e+00, v3;
	v14 =	vmul.f32 v11, v5  }
0x1a1: {  	v13 =	vmul.f32 v41, v7;
	v43 =	vmul.f32 v8, v6  }
0x1a2: {  	v3 =	vmul.f32 v3, v9;
	v44 =	vmul.f32 v14, v11  }
0x1a3: {  	v42 =	vmul.f32 v1, v1;
	v13 =	vsub.f32 $1.500000000e+00, v13;
	v45 =	vmul.f32 v43, v8  }
0x1a4: {  	v12 =	vmul.f32 v1, v40;
	v2 =	vmul.f32 v3, v2;
	v9 =	vsub.f32 $1.500000000e+00, v44  }
0x1a5: {  	v10 =	vmul.f32 v42, v40;
	v7 =	vmul.f32 v13, v7;
	v46 =	vsub.f32 $1.500000000e+00, v45  }
0x1a6: {  	[tilespmem:s23+$0x8980] =	vst v1;
	v1 =	vmul.f32 v2, v3;
	v2 =	vmul.f32 v9, v11  }
0x1a7: {  	[tilespmem:s23+$0x8700] =	vst v12;
	v47 =	vmul.f32 v7, v4;
	v8 =	vmul.f32 v46, v8  }
0x1a8: {  	[tilespmem:s23+$0x8C00] =	vst v10;
	v1 =	vsub.f32 $1.500000000e+00, v1;
	v48 =	vmul.f32 v2, v5  }
0x1a9: {  	v49 =	vld [tilespmem:s25+$0x8480];
	v9 =	vmul.f32 v47, v7;
	v50 =	vmul.f32 v8, v6  }
0x1aa: {  	v1 =	vmul.f32 v1, v3;
	v3 =	vmul.f32 v48, v2  }
0x1ab: {  	v9 =	vsub.f32 $1.500000000e+00, v9;
	v51 =	vmul.f32 v50, v8  }
0x1ac: {  	v52 =	vmul.f32 v1, v1;
	v3 =	vsub.f32 $1.500000000e+00, v3  }
0x1ad: {  	v7 =	vmul.f32 v9, v7;
	v53 =	vsub.f32 $1.500000000e+00, v51  }
0x1ae: {  	v54 =	vmul.f32 v52, v49;
	v2 =	vmul.f32 v3, v2  }
0x1af: {  	v3 =	vmul.f32 v7, v4;
	v55 =	vmul.f32 v53, v8  }
0x1b0: {  	[tilespmem:s25+$0x8980] =	vst v1;
	v56 =	vmul.f32 v1, v49;
	v57 =	vmul.f32 v2, v5  }
0x1b1: {  	[tilespmem:s25+$0x8C00] =	vst v54;
	v1 =	vmul.f32 v3, v7;
	v3 =	vmul.f32 v55, v6  }
0x1b2: {  	[tilespmem:s25+$0x8700] =	vst v56;
	v9 =	vmul.f32 v57, v2  }
0x1b3: {  	v1 =	vsub.f32 $1.500000000e+00, v1;
	v8 =	vld [tilespmem:s29+$0x8480];
	v3 =	vmul.f32 v3, v55  }
0x1b4: {  	v9 =	vsub.f32 $1.500000000e+00, v9  }
0x1b5: {  	v1 =	vmul.f32 v1, v7;
	v3 =	vsub.f32 $1.500000000e+00, v3  }
0x1b6: {  	v2 =	vmul.f32 v9, v2  }
0x1b7: {  	v7 =	vmul.f32 v1, v1;
	v3 =	vmul.f32 v3, v55  }
0x1b8: {  	[tilespmem:s29+$0x8980] =	vst v1;
	v1 =	vmul.f32 v1, v8;
	v58 =	vmul.f32 v2, v5  }
0x1b9: {  	v59 =	vmul.f32 v7, v8;
	v60 =	vmul.f32 v3, v6  }
0x1ba: {  	[tilespmem:s29+$0x8700] =	vst v1;
	v4 =	vmul.f32 v58, v2  }
0x1bb: {  	[tilespmem:s29+$0x8C00] =	vst v59;
	v61 =	vmul.f32 v60, v3  }
0x1bc: {  	v62 =	vld [tilespmem:s31+$0x8480];
	v1 =	vsub.f32 $1.500000000e+00, v4  }
0x1bd: {  	v5 =	vsub.f32 $1.500000000e+00, v61  }
0x1be: {  	v1 =	vmul.f32 v1, v2  }
0x1bf: {  	v2 =	vmul.f32 v5, v3  }
0x1c0: {  	v3 =	vmul.f32 v1, v1  }
0x1c1: {  	[tilespmem:s31+$0x8980] =	vst v1;
	v1 =	vmul.f32 v1, v62;
	v5 =	vmul.f32 v2, v6  }
0x1c2: {  	v3 =	vmul.f32 v3, v62  }
0x1c3: {  	[tilespmem:s31+$0x8700] =	vst v1;
	v63 =	vmul.f32 v5, v2  }
0x1c4: {  	[tilespmem:s31+$0x8C00] =	vst v3  }
0x1c5: {  	v3 =	vld [tilespmem:s0+$0x8480];
	v1 =	vsub.f32 $1.500000000e+00, v63;
	_ =	sdelay $0x1  }
0x1c6: {  	v1 =	vmul.f32 v1, v2;
	_ =	sdelay $0x1  }
0x1c7: {  	v2 =	vmul.f32 v1, v1  }
0x1c8: {  	[tilespmem:s0+$0x8980] =	vst v1;
	v1 =	vmul.f32 v1, v3  }
0x1c9: {  	v2 =	vmul.f32 v2, v3  }
0x1ca: {  	[tilespmem:s0+$0x8700] =	vst v1  }
0x1cb: {  	s31 =	simm.s32 $0x8700;
	[tilespmem:s0+$0x8C00] =	vst v2  }
0x1cc: {  	[spmem:s11] =	stream.linear.scatter [tilespmem:s31], [sflag:$0x4], $0x280, $0x38;
	[tilespmem:$0x9380] =	vst v63  }
0x1cd: {  	_ =	swait.ge [sflag:s22], $0x280  }
0x1ce: {  	[sflag:s22] =	ssyncset.done $0x0  }
0x1cf: {  	s18 =	simm.s32 @!p1 $0x8980;
	s0 =	simm.s32 @!p1 $0x0;
	[sflag:s22] =	ssyncadd.s32 $0xFFFFFD80  }
0x1d0: {  	[hbm4b:s12+s0] =	stream.linear.scatter @!p1 [tilespmem:s18], [sflag:$0x4], $0x280, $0x38;
	[tilespmem:$0x9380] =	vst v63  }
0x1d1: {  	s18 =	simm.s32 @!p1 $0x4  }
0x1d2: {  	_ =	swait.ge @!p1 [sflag:s18], $0x280  }
0x1d3: {  	[sflag:s18] =	ssyncset.done @!p1 $0x0  }
0x1d4: {  	s23 =	simm.s32 @!p1 $0x8C00;
	[sflag:s18] =	ssyncadd.s32 @!p1 $0xFFFFFD80  }
0x1d5: {  	[hbm4b:s13+s0] =	stream.linear.scatter @!p1 [tilespmem:s23], [sflag:$0x4], $0x280, $0x38;
	[tilespmem:$0x9380] =	vst v63  }
.Ltmp6:
0x1d6: {  	_ =	swait.ge @!p1 [sflag:s18], $0x280;
	(pc) =	sbr.rel @!p0 .LBB2_9-.Ltmp6, $4  }
0x1d7: {  	[sflag:s18] =	ssyncset.done @!p1 $0x0  }
0x1d8: {  	[sflag:s18] =	ssyncadd.s32 @!p1 $0xFFFFFD80  }
0x1d9: {  	[bflag:$0x0] =	sbarrier.arrive $0xFFFF  }
0x1da: {  	s0 =	simm.s32 $0x0;
	s23 =	simm.s32 $0x5A00  }
0x1db: {  	s18 =	sand.u32 $0x3C00, s0  }
0x1dc: {  	s30 =	sand.u32 $0x70, s0;
	s18 =	sshrl.u32 s18, $0x2  }
0x1dd: {  	s0 =	sor.u32 s30, s18  }
0x1de: {  	v1 =	vld [tilespmem:s0+$0x2800];
	_ =	sdelay $0x1  }
0x1df: {  	s31 =	simm.s32 $0x80  }
0x1e0: {  	s25 =	simm.s32 $0x10;
	s18 =	sand.u32 $0x3C00, s31  }
0x1e1: {  	s25 =	sand.u32 $0x70, s25;
	s18 =	sshrl.u32 s18, $0x2  }
0x1e2: {  	s25 =	sor.u32 s25, s18;
	[tilespmem:s23+$0x0] =	vst v1  }
0x1e3: {  	v1 =	vld [tilespmem:s25+$0x2800]  }
0x1e4: {  	s26 =	simm.s32 $0x20;
	s29 =	simm.s32 $0x100  }
.LBB2_17:
0x1e5: {  	s18 =	sand.u32 $0x3C00, s29;
	p2 =	sne.s32 s26, $0x4F0  }
0x1e6: {  	s30 =	smov.u32 s26;
	s26 =	sadd.s32 $0x10, s26;
	s23 =	sadd.s32 $0x10, s23  }
.Ltmp7:
0x1e7: {  	s30 =	sand.u32 $0x70, s30;
	s18 =	sshrl.u32 s18, $0x2;
	(pc) =	sbr.rel @p2 .LBB2_17-.Ltmp7, $3  }
0x1e8: {  	s18 =	sor.u32 s30, s18;
	[tilespmem:s23+$0x0] =	vst v1  }
0x1e9: {  	v1 =	vld [tilespmem:s18+$0x2800];
	_ =	sdelay $0x1  }
0x1ea: {  	s29 =	sadd.s32 $0x80, s29  }
0x1eb: {  	_ = 	snop  }
0x1ec: {  	s18 =	sadd.s32 $0x10, s23  }
0x1ed: {  	[tilespmem:s18+$0x0] =	vst v1  }
0x1ee: {  	v1 =	vld [tilespmem:s0+$0x2880];
	_ =	sdelay $0x3  }
0x1ef: {  	s0 =	simm.s32 $0x5F00  }
0x1f0: {  	[tilespmem:s0+$0x0] =	vst v1  }
0x1f1: {  	v1 =	vld [tilespmem:s25+$0x2880]  }
0x1f2: {  	s23 =	simm.s32 $0x20;
	s25 =	simm.s32 $0x100  }
.LBB2_19:
0x1f3: {  	s18 =	sand.u32 $0x3C00, s25;
	p2 =	sne.s32 s23, $0x4F0  }
0x1f4: {  	s26 =	smov.u32 s23;
	s23 =	sadd.s32 $0x10, s23;
	s0 =	sadd.s32 $0x10, s0  }
.Ltmp8:
0x1f5: {  	s26 =	sand.u32 $0x70, s26;
	s18 =	sshrl.u32 s18, $0x2;
	(pc) =	sbr.rel @p2 .LBB2_19-.Ltmp8, $3  }
0x1f6: {  	s18 =	sor.u32 s26, s18;
	[tilespmem:s0+$0x0] =	vst v1  }
0x1f7: {  	v1 =	vld [tilespmem:s18+$0x2880];
	_ =	sdelay $0x1  }
0x1f8: {  	s25 =	sadd.s32 $0x80, s25  }
0x1f9: {  	_ = 	snop  }
0x1fa: {  	s0 =	sadd.s32 $0x10, s0  }
0x1fb: {  	s30 =	simm.s32 $0x500;
	s18 =	simm.s32 $0x5A00;
	s23 =	simm.s32 $0x7800;
	[tilespmem:s0+$0x0] =	vst v1  }
0x1fc: {  	[tilespmem:s23], [sflag:$0x4] =	stream.indirect.gather [spmem:s3], $0x1, s18, s30, $0xb8;
	[tilespmem:$0x9380] =	vst v63  }
0x1fd: {  	_ =	swait.ge [sflag:s22], $0x500  }
0x1fe: {  	[sflag:s22] =	ssyncset.done $0x0  }
.Ltmp9:
0x1ff: {  	s31 =	simm.s32 $0x5F00;
	[sflag:s22] =	ssyncadd.s32 $0xFFFFFB00;
	(pc) =	sbr.rel .LBB2_21-.Ltmp9, $4  }
0x200: {  	[spmem:s2] =	stream.indirect.scatter.add.f32 [tilespmem:s23], [sflag:$0x4], $0x1, s31, s30, $0xb8;
	[tilespmem:$0x9380] =	vst v63  }
0x201: {  	_ =	swait.ge [sflag:s22], $0x500  }
0x202: {  	[sflag:s22] =	ssyncset.done $0x0  }
0x203: {  	[sflag:s22] =	ssyncadd.s32 $0xFFFFFB00  }
.LBB2_9:
0x204: {  	s18 =	simm.s32 $0x3200  }
0x205: {  	s23 =	simm.s32 $0x6400;
	s26 =	sand.u32 $0x70, s0;
	s30 =	sand.u32 $0x1F00, s0  }
0x206: {  	[tilespmem:s23], [sflag:$0x2] =	stream.indirect.gather [spmem:s3], $0x1, s18, s21, $0xb8;
	[tilespmem:$0x9380] =	vst v63  }
0x207: {  	s18 =	sor.u32 s26, s30  }
0x208: {  	v1 =	vld [tilespmem:s18+$0x1400];
	_ =	sdelay $0x2  }
0x209: {  	s23 =	simm.s32 $0x10;
	s26 =	simm.s32 $0x20  }
0x20a: {  	s25 =	simm.s32 $0x3C00;
	s31 =	sand.u32 $0x70, s23;
	s29 =	sand.u32 $0x1F00, s26  }
0x20b: {  	s18 =	sor.u32 s31, s29;
	[tilespmem:s25+$0x0] =	vst v1  }
0x20c: {  	s29 =	simm.s32 $0x20;
	v1 =	vld [tilespmem:s18+$0x1400]  }
.LBB2_10:
0x20d: {  	p2 =	sne.s32 s29, $0x9F0  }
.Ltmp10:
0x20e: {  	_ = 	snop;
	(pc) =	sbr.rel @p2 .LBB2_10-.Ltmp10, $4  }
0x20f: {  	s26 =	sadd.s32 $0x20, s26  }
0x210: {  	s18 =	sand.u32 $0x70, s29;
	s25 =	sadd.s32 $0x10, s25;
	s30 =	sand.u32 $0x1F00, s26  }
0x211: {  	s18 =	sor.u32 s18, s30;
	[tilespmem:s25+$0x0] =	vst v1  }
0x212: {  	s29 =	sadd.s32 $0x10, s29;
	v1 =	vld [tilespmem:s18+$0x1400]  }
0x213: {  	_ =	sdelay $0x1  }
0x214: {  	s18 =	sand.u32 $0x7C00, s0  }
0x215: {  	s25 =	sadd.s32 $0x10, s25;
	s29 =	sand.u32 $0x70, s0;
	s18 =	sshrl.u32 s18, $0x2  }
0x216: {  	s0 =	sor.u32 s29, s18;
	[tilespmem:s25+$0x0] =	vst v1  }
0x217: {  	v1 =	vld [tilespmem:s0+$0x80];
	_ =	sdelay $0x1  }
0x218: {  	s30 =	simm.s32 $0x80  }
0x219: {  	s31 =	sand.u32 $0x7C00, s30  }
0x21a: {  	s23 =	sand.u32 $0x70, s23;
	s18 =	sshrl.u32 s31, $0x2;
	s0 =	simm.s32 $0x4600  }
0x21b: {  	s18 =	sor.u32 s23, s18;
	[tilespmem:s0+$0x0] =	vst v1  }
0x21c: {  	v1 =	vld [tilespmem:s18+$0x80]  }
0x21d: {  	s23 =	simm.s32 $0x20;
	s25 =	simm.s32 $0x100  }
.LBB2_12:
0x21e: {  	s18 =	sand.u32 $0x7C00, s25;
	p2 =	sne.s32 s23, $0x9F0  }
0x21f: {  	s26 =	smov.u32 s23;
	s23 =	sadd.s32 $0x10, s23;
	s0 =	sadd.s32 $0x10, s0  }
.Ltmp11:
0x220: {  	s26 =	sand.u32 $0x70, s26;
	s18 =	sshrl.u32 s18, $0x2;
	(pc) =	sbr.rel @p2 .LBB2_12-.Ltmp11, $3  }
0x221: {  	s18 =	sor.u32 s26, s18;
	[tilespmem:s0+$0x0] =	vst v1  }
0x222: {  	v1 =	vld [tilespmem:s18+$0x80];
	_ =	sdelay $0x1  }
0x223: {  	s25 =	sadd.s32 $0x80, s25  }
0x224: {  	s18 =	simm.s32 $0x0  }
0x225: {  	s0 =	sadd.s32 $0x10, s0;
	s23 =	sand.u32 $0x70, s18;
	s18 =	sand.u32 $0x1F00, s18  }
0x226: {  	[tilespmem:s0+$0x0] =	vst v1;
	s30 =	sor.u32 s23, s18  }
0x227: {  	v1 =	vld [tilespmem:s30+$0x1480];
	_ =	sdelay $0x2  }
0x228: {  	s31 =	simm.s32 $0x10;
	s23 =	simm.s32 $0x20  }
0x229: {  	s0 =	simm.s32 $0x5000;
	s18 =	sand.u32 $0x70, s31;
	s25 =	sand.u32 $0x1F00, s23  }
0x22a: {  	s18 =	sor.u32 s18, s25;
	[tilespmem:s0+$0x0] =	vst v1  }
0x22b: {  	s25 =	simm.s32 $0x20;
	v1 =	vld [tilespmem:s18+$0x1480]  }
.LBB2_14:
0x22c: {  	p2 =	sne.s32 s25, $0x9F0  }
.Ltmp12:
0x22d: {  	_ = 	snop;
	(pc) =	sbr.rel @p2 .LBB2_14-.Ltmp12, $4  }
0x22e: {  	s23 =	sadd.s32 $0x20, s23  }
0x22f: {  	s18 =	sand.u32 $0x70, s25;
	s0 =	sadd.s32 $0x10, s0;
	s26 =	sand.u32 $0x1F00, s23  }
0x230: {  	[tilespmem:s0+$0x0] =	vst v1;
	s18 =	sor.u32 s18, s26  }
0x231: {  	s25 =	sadd.s32 $0x10, s25;
	v1 =	vld [tilespmem:s18+$0x1480]  }
.Ltmp13:
0x232: {  	_ = 	snop;
	(pc) =	sbr.rel .LBB2_15-.Ltmp13, $1  }
0x233: {  	_ =	sdelay $0x3  }
.LBB2_22:
0x234: {  	_ =	sfence.sel $0x180000  }
0x235: {  	[bflag:$0x0] =	sbarrier.arrive $0xFFFF  }
0x236: {  	_ =	strace $0x9000004A  }
0x237: {  	[bflag:$0x2] =	sbarrier.arrive $0xFFFF  }
0x238: {  	p0 =	sne.s32 s1, $0x0;
	s0 =	rddreg [dreg:$0x4]  }
0x239: {  	s0 =	sadd.s32 @!p0 $0x100000, s0  }
0x23a: {  	[sflag:s0] =	ssyncadd.tile.s32 @!p0 $0x1;
	_ =	shalt  }
.Lfunc_end2:
_tile_overlayer_lowered:
.L_overlay_start_2:
0x23b: {  	(tag) =	ssettag $0x2  }
0x23c: {  	s0 =	rddreg [dreg:$0x0];
	s2 =	stileid.u32  }
0x23d: {  	s1 =	rddreg [dreg:$0x1];
	p0 =	sne.s32 s2, $0x0  }
0x23e: {  	s3 =	rddreg [dreg:$0x2];
	[bflag:$0x3] =	sbarrier.arrive $0xFFFF;
	s2 =	simm.s32 @!p0 $0x1C04  }
0x23f: {  	[timem:s3], [sflag:s2] =	dma.local @!p0 [hbm:s0], s1  }
0x240: {  	s0 =	simm.s32 @!p0 $0x4  }
0x241: {  	_ =	swait.ge @!p0 [sflag:s0], s1  }
0x242: {  	s1 =	ssub.s32 @!p0 $0x0, s1;
	[sflag:s0] =	ssyncset.done @!p0 $0x0  }
0x243: {  	[sflag:s0] =	ssyncadd.s32 @!p0 s1  }
0x244: {  	[bflag:$0x3] =	sbarrier.arrive $0xFFFF  }
0x245: {  	_ =	shalt  }

</sc_bundles>
